<compile_context>
chip_gen: v7x
topology: tpu7x:2x2x1
jax: 0.10.2.dev20260603
libtpu: 0.0.44.dev20260713+nightly
codegen_flags: <defaults>
</compile_context>

<pallas_src>
import functools

import jax
import jax.numpy as jnp
from jax import lax
from jax.experimental import pallas as pl
from jax.experimental.pallas import tpu as pltpu
from jax.experimental.pallas import tpu_sc as plsc

_NC = 2
_NS = 16
_NW = _NC * _NS


@functools.lru_cache(maxsize=None)
def _make_gather(V, D, B, C, nbuf, DP):
    assert B % (_NW * C * nbuf) == 0 and C % 8 == 0
    b_per_w = B // _NW
    nchunks = b_per_w // C
    nsteps = nchunks // nbuf
    mesh = plsc.VectorSubcoreMesh(
        core_axis_name="c", subcore_axis_name="s",
        num_cores=_NC, num_subcores=_NS,
    )

    @functools.partial(
        pl.kernel,
        out_type=jax.ShapeDtypeStruct((B, DP), jnp.float32),
        mesh=mesh,
        scratch_types=[
            pltpu.VMEM((b_per_w,), jnp.int32),
            pltpu.VMEM((nbuf, C, DP), jnp.float32),
        ] + [pltpu.SemaphoreType.DMA] * (2 * nbuf),
        compiler_params=pltpu.CompilerParams(use_tc_tiling_on_sc=False),
    )
    def gather_kernel(idx_hbm, table_hbm, out_hbm, idx_v, rows_v, *sems):
        gsem = sems[:nbuf]
        wsem = sems[nbuf:]
        wid = lax.axis_index("s") * _NC + lax.axis_index("c")
        base = wid * b_per_w
        pltpu.sync_copy(idx_hbm.at[pl.ds(base, b_per_w)], idx_v)

        def start_gather(b, c):
            off = pl.multiple_of(c * C, 8)
            pltpu.async_copy(
                table_hbm.at[idx_v.at[pl.ds(off, C)]], rows_v.at[b], gsem[b]
            )

        def wait_gather(b):
            pltpu.make_async_copy(
                table_hbm.at[idx_v.at[pl.ds(0, C)]], rows_v.at[b], gsem[b]
            ).wait()

        def start_write(b, c):
            off = pl.multiple_of(base + c * C, 8)
            pltpu.async_copy(
                rows_v.at[b, :, pl.ds(0, D)],
                out_hbm.at[pl.ds(off, C), pl.ds(0, D)], wsem[b]
            )

        def wait_write(b):
            pltpu.make_async_copy(
                rows_v.at[b, :, pl.ds(0, D)],
                out_hbm.at[pl.ds(0, C), pl.ds(0, D)], wsem[b]
            ).wait()

        for b in range(nbuf):
            start_gather(b, b)

        @pl.loop(0, nsteps - 1)
        def _group(s):
            c0 = s * nbuf
            for b in range(nbuf):
                wait_gather(b)
                start_write(b, c0 + b)
                wait_write(b)
                start_gather(b, c0 + nbuf + b)

        c0 = (nsteps - 1) * nbuf
        for b in range(nbuf):
            wait_gather(b)
            start_write(b, c0 + b)
        for b in range(nbuf):
            wait_write(b)

    return gather_kernel


def kernel(x, table):
    S0, S1 = x.shape
    V, D = table.shape
    B = S0 * S1
    flat_idx = x.reshape(B).astype(jnp.int32)
    tpad = jnp.pad(table, ((0, 0), (0, 128 - D)))
    out = _make_gather(V, D, B, 200, 4, 128)(flat_idx, tpad)
    return out[:, :D].reshape(S0, S1, D)

# --- scband reference (transcript-rebuilt; emitter-appended) ---
"""Pipeline reference for scband-embedder-21174188769710 (READ-ONLY COPY).

The authoritative reference and input builder live on the scoring server;
editing this copy changes nothing except your own understanding.
"""

import jax, jax.numpy as jnp
import numpy as np

VOCAB = 1000000
D_MODEL = 64

def setup_inputs(seed: int = 0) -> dict:
    key = jax.random.key(seed)
    k1, k2 = jax.random.split(key)
    x = jax.random.randint(k1, (4096, 200), 0, VOCAB, dtype=jnp.int64 if jax.config.read('jax_enable_x64') else jnp.int32)
    table = jax.random.normal(k2, (VOCAB, D_MODEL), dtype=jnp.float32)
    return {"x": x, "table": table}

def reference(x, table):
    # nn.Embedding lookup: table[x]
    return jnp.take(table, x, axis=0)

if __name__ == "__main__":
    import jax
    _d = setup_inputs()
    print(jax.jit(kernel)(*tuple(_d.values())))

</pallas_src>

<mosaic_0001>
#map = affine_map<(d0, d1) -> (0)>
#map1 = affine_map<(d0, d1) -> (0, 0)>
module attributes {stable_mosaic.version = 14 : i64} {
  func.func @gather_kernel(%arg0: i32, %arg1: i32, %arg2: memref<819200xi32, #tpu.memory_space<hbm>>, %arg3: memref<1000000x128xf32, #tpu.memory_space<hbm>>, %arg4: memref<819200x128xf32, #tpu.memory_space<hbm>>, %arg5: memref<25600xi32, #tpu.memory_space<vmem>>, %arg6: memref<4x200x128xf32, #tpu.memory_space<vmem>>, %arg7: memref<!tpu.dma_semaphore, #tpu.memory_space<semaphore_mem>>, %arg8: memref<!tpu.dma_semaphore, #tpu.memory_space<semaphore_mem>>, %arg9: memref<!tpu.dma_semaphore, #tpu.memory_space<semaphore_mem>>, %arg10: memref<!tpu.dma_semaphore, #tpu.memory_space<semaphore_mem>>, %arg11: memref<!tpu.dma_semaphore, #tpu.memory_space<semaphore_mem>>, %arg12: memref<!tpu.dma_semaphore, #tpu.memory_space<semaphore_mem>>, %arg13: memref<!tpu.dma_semaphore, #tpu.memory_space<semaphore_mem>>, %arg14: memref<!tpu.dma_semaphore, #tpu.memory_space<semaphore_mem>>) attributes {dimension_semantics = [#tpu.dimension_semantics<core_parallel>, #tpu.dimension_semantics<subcore_parallel>], iteration_bounds = array<i64: 2, 16>, scalar_prefetch = 0 : i64, scratch_operands = 10 : i64, tpu.core_type = #tpu.core_type<sc_vector_subcore>, window_params = [{transform_indices = #map}, {transform_indices = #map1}, {transform_indices = #map1}]} {
    %mul3A = arith.constant 2 : i32
    %mul3A_0 = arith.muli %arg1, %mul3A : i32
    %add3A = arith.addi %mul3A_0, %arg0 : i32
    %mul3A_1 = arith.constant 25600 : i32
    %mul3A_2 = arith.muli %add3A, %mul3A_1 : i32
    "tpu.region"() ({
      %run_scoped3A = tpu.sem_alloc : memref<!tpu.dma_semaphore, #tpu.memory_space<semaphore_mem>>
      %dma_start3A_212 = tpu.memref_slice %arg2[%mul3A_2] : memref<819200xi32, #tpu.memory_space<hbm>> -> memref<25600xi32, #tpu.memory_space<hbm>>
      %dma_start3A_213 = tpu.memref_slice %arg2[%mul3A_2] : memref<819200xi32, #tpu.memory_space<hbm>> -> memref<25600xi32, #tpu.memory_space<hbm>>
      tpu.enqueue_dma source(%dma_start3A_213 : memref<25600xi32, #tpu.memory_space<hbm>>) target(%arg5 : memref<25600xi32, #tpu.memory_space<vmem>>) target_semaphore(%run_scoped3A : memref<!tpu.dma_semaphore, #tpu.memory_space<semaphore_mem>>)
      %dma_wait3A_214 = tpu.memref_slice %arg2[%mul3A_2] : memref<819200xi32, #tpu.memory_space<hbm>> -> memref<25600xi32, #tpu.memory_space<hbm>>
      %dma_wait3A_215 = tpu.memref_slice %arg2[%mul3A_2] : memref<819200xi32, #tpu.memory_space<hbm>> -> memref<25600xi32, #tpu.memory_space<hbm>>
      tpu.wait_dma2 semaphore(%run_scoped3A : memref<!tpu.dma_semaphore, #tpu.memory_space<semaphore_mem>>) src(%dma_wait3A_215 : memref<25600xi32, #tpu.memory_space<hbm>>) dst(%arg5 : memref<25600xi32, #tpu.memory_space<vmem>>)
      tpu.yield
    }) : () -> ()
    %multiple_of3A = arith.constant 0 : i32
    %multiple_of3A_3 = tpu.assume_multiple %multiple_of3A, 8 : i32
    %dma_start3A = arith.constant 0 : i32
    %dma_start3A_4 = arith.constant 0 : i32
    %dma_start3A_5 = arith.constant 0 : i32
    %dma_start3A_6 = tpu.memref_slice %arg6[%dma_start3A, %dma_start3A_4, %dma_start3A_5] : memref<4x200x128xf32, #tpu.memory_space<vmem>> -> memref<1x200x128xf32, #tpu.memory_space<vmem>>
    %dma_start3A_7 = tpu.memref_squeeze %dma_start3A_6 : memref<1x200x128xf32, #tpu.memory_space<vmem>> -> memref<200x128xf32, #tpu.memory_space<vmem>>
    %dma_start3A_8 = tpu.memref_slice %arg5[%multiple_of3A_3] : memref<25600xi32, #tpu.memory_space<vmem>> -> memref<200xi32, #tpu.memory_space<vmem>>
    %dma_start3A_9 = arith.constant 0 : i32
    %dma_start3A_10 = arith.constant 0 : i32
    %dma_start3A_11 = tpu.memref_slice %arg3[%dma_start3A_9, %dma_start3A_10] : memref<1000000x128xf32, #tpu.memory_space<hbm>> -> memref<1000000x128xf32, #tpu.memory_space<hbm>>
    tpu.enqueue_indirect_dma source(%dma_start3A_11 : memref<1000000x128xf32, #tpu.memory_space<hbm>>) target(%dma_start3A_7 : memref<200x128xf32, #tpu.memory_space<vmem>>) offsets(%dma_start3A_8 : memref<200xi32, #tpu.memory_space<vmem>>) semaphore(%arg7 : memref<!tpu.dma_semaphore, #tpu.memory_space<semaphore_mem>>)
    %multiple_of3A_12 = arith.constant 200 : i32
    %multiple_of3A_13 = tpu.assume_multiple %multiple_of3A_12, 8 : i32
    %dma_start3A_14 = arith.constant 1 : i32
    %dma_start3A_15 = arith.constant 0 : i32
    %dma_start3A_16 = arith.constant 0 : i32
    %dma_start3A_17 = tpu.memref_slice %arg6[%dma_start3A_14, %dma_start3A_15, %dma_start3A_16] : memref<4x200x128xf32, #tpu.memory_space<vmem>> -> memref<1x200x128xf32, #tpu.memory_space<vmem>>
    %dma_start3A_18 = tpu.memref_squeeze %dma_start3A_17 : memref<1x200x128xf32, #tpu.memory_space<vmem>> -> memref<200x128xf32, #tpu.memory_space<vmem>>
    %dma_start3A_19 = tpu.memref_slice %arg5[%multiple_of3A_13] : memref<25600xi32, #tpu.memory_space<vmem>> -> memref<200xi32, #tpu.memory_space<vmem>>
    %dma_start3A_20 = arith.constant 0 : i32
    %dma_start3A_21 = arith.constant 0 : i32
    %dma_start3A_22 = tpu.memref_slice %arg3[%dma_start3A_20, %dma_start3A_21] : memref<1000000x128xf32, #tpu.memory_space<hbm>> -> memref<1000000x128xf32, #tpu.memory_space<hbm>>
    tpu.enqueue_indirect_dma source(%dma_start3A_22 : memref<1000000x128xf32, #tpu.memory_space<hbm>>) target(%dma_start3A_18 : memref<200x128xf32, #tpu.memory_space<vmem>>) offsets(%dma_start3A_19 : memref<200xi32, #tpu.memory_space<vmem>>) semaphore(%arg8 : memref<!tpu.dma_semaphore, #tpu.memory_space<semaphore_mem>>)
    %multiple_of3A_23 = arith.constant 400 : i32
    %multiple_of3A_24 = tpu.assume_multiple %multiple_of3A_23, 8 : i32
    %dma_start3A_25 = arith.constant 2 : i32
    %dma_start3A_26 = arith.constant 0 : i32
    %dma_start3A_27 = arith.constant 0 : i32
    %dma_start3A_28 = tpu.memref_slice %arg6[%dma_start3A_25, %dma_start3A_26, %dma_start3A_27] : memref<4x200x128xf32, #tpu.memory_space<vmem>> -> memref<1x200x128xf32, #tpu.memory_space<vmem>>
    %dma_start3A_29 = tpu.memref_squeeze %dma_start3A_28 : memref<1x200x128xf32, #tpu.memory_space<vmem>> -> memref<200x128xf32, #tpu.memory_space<vmem>>
    %dma_start3A_30 = tpu.memref_slice %arg5[%multiple_of3A_24] : memref<25600xi32, #tpu.memory_space<vmem>> -> memref<200xi32, #tpu.memory_space<vmem>>
    %dma_start3A_31 = arith.constant 0 : i32
    %dma_start3A_32 = arith.constant 0 : i32
    %dma_start3A_33 = tpu.memref_slice %arg3[%dma_start3A_31, %dma_start3A_32] : memref<1000000x128xf32, #tpu.memory_space<hbm>> -> memref<1000000x128xf32, #tpu.memory_space<hbm>>
    tpu.enqueue_indirect_dma source(%dma_start3A_33 : memref<1000000x128xf32, #tpu.memory_space<hbm>>) target(%dma_start3A_29 : memref<200x128xf32, #tpu.memory_space<vmem>>) offsets(%dma_start3A_30 : memref<200xi32, #tpu.memory_space<vmem>>) semaphore(%arg9 : memref<!tpu.dma_semaphore, #tpu.memory_space<semaphore_mem>>)
    %multiple_of3A_34 = arith.constant 600 : i32
    %multiple_of3A_35 = tpu.assume_multiple %multiple_of3A_34, 8 : i32
    %dma_start3A_36 = arith.constant 3 : i32
    %dma_start3A_37 = arith.constant 0 : i32
    %dma_start3A_38 = arith.constant 0 : i32
    %dma_start3A_39 = tpu.memref_slice %arg6[%dma_start3A_36, %dma_start3A_37, %dma_start3A_38] : memref<4x200x128xf32, #tpu.memory_space<vmem>> -> memref<1x200x128xf32, #tpu.memory_space<vmem>>
    %dma_start3A_40 = tpu.memref_squeeze %dma_start3A_39 : memref<1x200x128xf32, #tpu.memory_space<vmem>> -> memref<200x128xf32, #tpu.memory_space<vmem>>
    %dma_start3A_41 = tpu.memref_slice %arg5[%multiple_of3A_35] : memref<25600xi32, #tpu.memory_space<vmem>> -> memref<200xi32, #tpu.memory_space<vmem>>
    %dma_start3A_42 = arith.constant 0 : i32
    %dma_start3A_43 = arith.constant 0 : i32
    %dma_start3A_44 = tpu.memref_slice %arg3[%dma_start3A_42, %dma_start3A_43] : memref<1000000x128xf32, #tpu.memory_space<hbm>> -> memref<1000000x128xf32, #tpu.memory_space<hbm>>
    tpu.enqueue_indirect_dma source(%dma_start3A_44 : memref<1000000x128xf32, #tpu.memory_space<hbm>>) target(%dma_start3A_40 : memref<200x128xf32, #tpu.memory_space<vmem>>) offsets(%dma_start3A_41 : memref<200xi32, #tpu.memory_space<vmem>>) semaphore(%arg10 : memref<!tpu.dma_semaphore, #tpu.memory_space<semaphore_mem>>)
    %scan3A = arith.constant 0 : i32
    %scan3A_45 = arith.constant 31 : i32
    %scan3A_46 = arith.addi %scan3A, %scan3A_45 : i32
    %scan3A_47 = arith.constant 1 : i32
    scf.for %scan3A_212 = %scan3A to %scan3A_46 step %scan3A_47  : i32 {
      %mul3A_213 = arith.constant 1 : i32
      %mul3A_214 = arith.muli %scan3A_212, %mul3A_213 : i32
      %add3A_215 = arith.constant 0 : i32
      %add3A_216 = arith.addi %add3A_215, %mul3A_214 : i32
      %mul3A_217 = arith.constant 4 : i32
      %mul3A_218 = arith.muli %add3A_216, %mul3A_217 : i32
      %dma_wait3A_219 = arith.constant 0 : i32
      %dma_wait3A_220 = arith.constant 0 : i32
      %dma_wait3A_221 = arith.constant 0 : i32
      %dma_wait3A_222 = tpu.memref_slice %arg6[%dma_wait3A_219, %dma_wait3A_220, %dma_wait3A_221] : memref<4x200x128xf32, #tpu.memory_space<vmem>> -> memref<1x200x128xf32, #tpu.memory_space<vmem>>
      %dma_wait3A_223 = tpu.memref_squeeze %dma_wait3A_222 : memref<1x200x128xf32, #tpu.memory_space<vmem>> -> memref<200x128xf32, #tpu.memory_space<vmem>>
      %dma_wait3A_224 = arith.constant 0 : i32
      %dma_wait3A_225 = tpu.memref_slice %arg5[%dma_wait3A_224] : memref<25600xi32, #tpu.memory_space<vmem>> -> memref<200xi32, #tpu.memory_space<vmem>>
      %dma_wait3A_226 = arith.constant 0 : i32
      %dma_wait3A_227 = arith.constant 0 : i32
      %dma_wait3A_228 = tpu.memref_slice %arg3[%dma_wait3A_226, %dma_wait3A_227] : memref<1000000x128xf32, #tpu.memory_space<hbm>> -> memref<1000000x128xf32, #tpu.memory_space<hbm>>
      tpu.wait_indirect_dma semaphore(%arg7 : memref<!tpu.dma_semaphore, #tpu.memory_space<semaphore_mem>>) src(%dma_wait3A_228 : memref<1000000x128xf32, #tpu.memory_space<hbm>>) dst(%dma_wait3A_223 : memref<200x128xf32, #tpu.memory_space<vmem>>)
      %add3A_229 = arith.constant 0 : i32
      %add3A_230 = arith.addi %mul3A_218, %add3A_229 : i32
      %mul3A_231 = arith.constant 200 : i32
      %mul3A_232 = arith.muli %add3A_230, %mul3A_231 : i32
      %add3A_233 = arith.addi %mul3A_2, %mul3A_232 : i32
      %multiple_of3A_234 = tpu.assume_multiple %add3A_233, 8 : i32
      %dma_start3A_235 = arith.constant 0 : i32
      %dma_start3A_236 = arith.constant 0 : i32
      %dma_start3A_237 = arith.constant 0 : i32
      %dma_start3A_238 = tpu.memref_slice %arg6[%dma_start3A_235, %dma_start3A_236, %dma_start3A_237] : memref<4x200x128xf32, #tpu.memory_space<vmem>> -> memref<1x200x64xf32, #tpu.memory_space<vmem>>
      %dma_start3A_239 = tpu.memref_squeeze %dma_start3A_238 : memref<1x200x64xf32, #tpu.memory_space<vmem>> -> memref<200x64xf32, #tpu.memory_space<vmem>>
      %dma_start3A_240 = arith.constant 0 : i32
      %dma_start3A_241 = tpu.memref_slice %arg4[%multiple_of3A_234, %dma_start3A_240] : memref<819200x128xf32, #tpu.memory_space<hbm>> -> memref<200x64xf32, #tpu.memory_space<hbm>>
      %dma_start3A_242 = arith.constant 0 : i32
      %dma_start3A_243 = tpu.memref_slice %arg4[%multiple_of3A_234, %dma_start3A_242] : memref<819200x128xf32, #tpu.memory_space<hbm>> -> memref<200x64xf32, #tpu.memory_space<hbm>>
      %dma_start3A_244 = arith.constant 0 : i32
      %dma_start3A_245 = arith.constant 0 : i32
      %dma_start3A_246 = tpu.memref_slice %arg6[%dma_start3A_235, %dma_start3A_244, %dma_start3A_245] : memref<4x200x128xf32, #tpu.memory_space<vmem>> -> memref<1x200x64xf32, #tpu.memory_space<vmem>>
      %dma_start3A_247 = tpu.memref_squeeze %dma_start3A_246 : memref<1x200x64xf32, #tpu.memory_space<vmem>> -> memref<200x64xf32, #tpu.memory_space<vmem>>
      tpu.enqueue_dma source(%dma_start3A_247 : memref<200x64xf32, #tpu.memory_space<vmem>>) target(%dma_start3A_243 : memref<200x64xf32, #tpu.memory_space<hbm>>) target_semaphore(%arg11 : memref<!tpu.dma_semaphore, #tpu.memory_space<semaphore_mem>>)
      %dma_wait3A_248 = arith.constant 0 : i32
      %dma_wait3A_249 = arith.constant 0 : i32
      %dma_wait3A_250 = arith.constant 0 : i32
      %dma_wait3A_251 = tpu.memref_slice %arg6[%dma_wait3A_248, %dma_wait3A_249, %dma_wait3A_250] : memref<4x200x128xf32, #tpu.memory_space<vmem>> -> memref<1x200x64xf32, #tpu.memory_space<vmem>>
      %dma_wait3A_252 = tpu.memref_squeeze %dma_wait3A_251 : memref<1x200x64xf32, #tpu.memory_space<vmem>> -> memref<200x64xf32, #tpu.memory_space<vmem>>
      %dma_wait3A_253 = arith.constant 0 : i32
      %dma_wait3A_254 = arith.constant 0 : i32
      %dma_wait3A_255 = tpu.memref_slice %arg4[%dma_wait3A_253, %dma_wait3A_254] : memref<819200x128xf32, #tpu.memory_space<hbm>> -> memref<200x64xf32, #tpu.memory_space<hbm>>
      %dma_wait3A_256 = arith.constant 0 : i32
      %dma_wait3A_257 = arith.constant 0 : i32
      %dma_wait3A_258 = tpu.memref_slice %arg4[%dma_wait3A_256, %dma_wait3A_257] : memref<819200x128xf32, #tpu.memory_space<hbm>> -> memref<200x64xf32, #tpu.memory_space<hbm>>
      %dma_wait3A_259 = arith.constant 0 : i32
      %dma_wait3A_260 = arith.constant 0 : i32
      %dma_wait3A_261 = tpu.memref_slice %arg6[%dma_wait3A_248, %dma_wait3A_259, %dma_wait3A_260] : memref<4x200x128xf32, #tpu.memory_space<vmem>> -> memref<1x200x64xf32, #tpu.memory_space<vmem>>
      %dma_wait3A_262 = tpu.memref_squeeze %dma_wait3A_261 : memref<1x200x64xf32, #tpu.memory_space<vmem>> -> memref<200x64xf32, #tpu.memory_space<vmem>>
      tpu.wait_dma2 semaphore(%arg11 : memref<!tpu.dma_semaphore, #tpu.memory_space<semaphore_mem>>) src(%dma_wait3A_262 : memref<200x64xf32, #tpu.memory_space<vmem>>) dst(%dma_wait3A_258 : memref<200x64xf32, #tpu.memory_space<hbm>>)
      %add3A_263 = arith.constant 4 : i32
      %add3A_264 = arith.addi %mul3A_218, %add3A_263 : i32
      %add3A_265 = arith.constant 0 : i32
      %add3A_266 = arith.addi %add3A_264, %add3A_265 : i32
      %mul3A_267 = arith.constant 200 : i32
      %mul3A_268 = arith.muli %add3A_266, %mul3A_267 : i32
      %multiple_of3A_269 = tpu.assume_multiple %mul3A_268, 8 : i32
      %dma_start3A_270 = arith.constant 0 : i32
      %dma_start3A_271 = arith.constant 0 : i32
      %dma_start3A_272 = arith.constant 0 : i32
      %dma_start3A_273 = tpu.memref_slice %arg6[%dma_start3A_270, %dma_start3A_271, %dma_start3A_272] : memref<4x200x128xf32, #tpu.memory_space<vmem>> -> memref<1x200x128xf32, #tpu.memory_space<vmem>>
      %dma_start3A_274 = tpu.memref_squeeze %dma_start3A_273 : memref<1x200x128xf32, #tpu.memory_space<vmem>> -> memref<200x128xf32, #tpu.memory_space<vmem>>
      %dma_start3A_275 = tpu.memref_slice %arg5[%multiple_of3A_269] : memref<25600xi32, #tpu.memory_space<vmem>> -> memref<200xi32, #tpu.memory_space<vmem>>
      %dma_start3A_276 = arith.constant 0 : i32
      %dma_start3A_277 = arith.constant 0 : i32
      %dma_start3A_278 = tpu.memref_slice %arg3[%dma_start3A_276, %dma_start3A_277] : memref<1000000x128xf32, #tpu.memory_space<hbm>> -> memref<1000000x128xf32, #tpu.memory_space<hbm>>
      tpu.enqueue_indirect_dma source(%dma_start3A_278 : memref<1000000x128xf32, #tpu.memory_space<hbm>>) target(%dma_start3A_274 : memref<200x128xf32, #tpu.memory_space<vmem>>) offsets(%dma_start3A_275 : memref<200xi32, #tpu.memory_space<vmem>>) semaphore(%arg7 : memref<!tpu.dma_semaphore, #tpu.memory_space<semaphore_mem>>)
      %dma_wait3A_279 = arith.constant 1 : i32
      %dma_wait3A_280 = arith.constant 0 : i32
      %dma_wait3A_281 = arith.constant 0 : i32
      %dma_wait3A_282 = tpu.memref_slice %arg6[%dma_wait3A_279, %dma_wait3A_280, %dma_wait3A_281] : memref<4x200x128xf32, #tpu.memory_space<vmem>> -> memref<1x200x128xf32, #tpu.memory_space<vmem>>
      %dma_wait3A_283 = tpu.memref_squeeze %dma_wait3A_282 : memref<1x200x128xf32, #tpu.memory_space<vmem>> -> memref<200x128xf32, #tpu.memory_space<vmem>>
      %dma_wait3A_284 = arith.constant 0 : i32
      %dma_wait3A_285 = tpu.memref_slice %arg5[%dma_wait3A_284] : memref<25600xi32, #tpu.memory_space<vmem>> -> memref<200xi32, #tpu.memory_space<vmem>>
      %dma_wait3A_286 = arith.constant 0 : i32
      %dma_wait3A_287 = arith.constant 0 : i32
      %dma_wait3A_288 = tpu.memref_slice %arg3[%dma_wait3A_286, %dma_wait3A_287] : memref<1000000x128xf32, #tpu.memory_space<hbm>> -> memref<1000000x128xf32, #tpu.memory_space<hbm>>
      tpu.wait_indirect_dma semaphore(%arg8 : memref<!tpu.dma_semaphore, #tpu.memory_space<semaphore_mem>>) src(%dma_wait3A_288 : memref<1000000x128xf32, #tpu.memory_space<hbm>>) dst(%dma_wait3A_283 : memref<200x128xf32, #tpu.memory_space<vmem>>)
      %add3A_289 = arith.constant 1 : i32
      %add3A_290 = arith.addi %mul3A_218, %add3A_289 : i32
      %mul3A_291 = arith.constant 200 : i32
      %mul3A_292 = arith.muli %add3A_290, %mul3A_291 : i32
      %add3A_293 = arith.addi %mul3A_2, %mul3A_292 : i32
      %multiple_of3A_294 = tpu.assume_multiple %add3A_293, 8 : i32
      %dma_start3A_295 = arith.constant 1 : i32
      %dma_start3A_296 = arith.constant 0 : i32
      %dma_start3A_297 = arith.constant 0 : i32
      %dma_start3A_298 = tpu.memref_slice %arg6[%dma_start3A_295, %dma_start3A_296, %dma_start3A_297] : memref<4x200x128xf32, #tpu.memory_space<vmem>> -> memref<1x200x64xf32, #tpu.memory_space<vmem>>
      %dma_start3A_299 = tpu.memref_squeeze %dma_start3A_298 : memref<1x200x64xf32, #tpu.memory_space<vmem>> -> memref<200x64xf32, #tpu.memory_space<vmem>>
      %dma_start3A_300 = arith.constant 0 : i32
      %dma_start3A_301 = tpu.memref_slice %arg4[%multiple_of3A_294, %dma_start3A_300] : memref<819200x128xf32, #tpu.memory_space<hbm>> -> memref<200x64xf32, #tpu.memory_space<hbm>>
      %dma_start3A_302 = arith.constant 0 : i32
      %dma_start3A_303 = tpu.memref_slice %arg4[%multiple_of3A_294, %dma_start3A_302] : memref<819200x128xf32, #tpu.memory_space<hbm>> -> memref<200x64xf32, #tpu.memory_space<hbm>>
      %dma_start3A_304 = arith.constant 0 : i32
      %dma_start3A_305 = arith.constant 0 : i32
      %dma_start3A_306 = tpu.memref_slice %arg6[%dma_start3A_295, %dma_start3A_304, %dma_start3A_305] : memref<4x200x128xf32, #tpu.memory_space<vmem>> -> memref<1x200x64xf32, #tpu.memory_space<vmem>>
      %dma_start3A_307 = tpu.memref_squeeze %dma_start3A_306 : memref<1x200x64xf32, #tpu.memory_space<vmem>> -> memref<200x64xf32, #tpu.memory_space<vmem>>
      tpu.enqueue_dma source(%dma_start3A_307 : memref<200x64xf32, #tpu.memory_space<vmem>>) target(%dma_start3A_303 : memref<200x64xf32, #tpu.memory_space<hbm>>) target_semaphore(%arg12 : memref<!tpu.dma_semaphore, #tpu.memory_space<semaphore_mem>>)
      %dma_wait3A_308 = arith.constant 1 : i32
      %dma_wait3A_309 = arith.constant 0 : i32
      %dma_wait3A_310 = arith.constant 0 : i32
      %dma_wait3A_311 = tpu.memref_slice %arg6[%dma_wait3A_308, %dma_wait3A_309, %dma_wait3A_310] : memref<4x200x128xf32, #tpu.memory_space<vmem>> -> memref<1x200x64xf32, #tpu.memory_space<vmem>>
      %dma_wait3A_312 = tpu.memref_squeeze %dma_wait3A_311 : memref<1x200x64xf32, #tpu.memory_space<vmem>> -> memref<200x64xf32, #tpu.memory_space<vmem>>
      %dma_wait3A_313 = arith.constant 0 : i32
      %dma_wait3A_314 = arith.constant 0 : i32
      %dma_wait3A_315 = tpu.memref_slice %arg4[%dma_wait3A_313, %dma_wait3A_314] : memref<819200x128xf32, #tpu.memory_space<hbm>> -> memref<200x64xf32, #tpu.memory_space<hbm>>
      %dma_wait3A_316 = arith.constant 0 : i32
      %dma_wait3A_317 = arith.constant 0 : i32
      %dma_wait3A_318 = tpu.memref_slice %arg4[%dma_wait3A_316, %dma_wait3A_317] : memref<819200x128xf32, #tpu.memory_space<hbm>> -> memref<200x64xf32, #tpu.memory_space<hbm>>
      %dma_wait3A_319 = arith.constant 0 : i32
      %dma_wait3A_320 = arith.constant 0 : i32
      %dma_wait3A_321 = tpu.memref_slice %arg6[%dma_wait3A_308, %dma_wait3A_319, %dma_wait3A_320] : memref<4x200x128xf32, #tpu.memory_space<vmem>> -> memref<1x200x64xf32, #tpu.memory_space<vmem>>
      %dma_wait3A_322 = tpu.memref_squeeze %dma_wait3A_321 : memref<1x200x64xf32, #tpu.memory_space<vmem>> -> memref<200x64xf32, #tpu.memory_space<vmem>>
      tpu.wait_dma2 semaphore(%arg12 : memref<!tpu.dma_semaphore, #tpu.memory_space<semaphore_mem>>) src(%dma_wait3A_322 : memref<200x64xf32, #tpu.memory_space<vmem>>) dst(%dma_wait3A_318 : memref<200x64xf32, #tpu.memory_space<hbm>>)
      %add3A_323 = arith.constant 4 : i32
      %add3A_324 = arith.addi %mul3A_218, %add3A_323 : i32
      %add3A_325 = arith.constant 1 : i32
      %add3A_326 = arith.addi %add3A_324, %add3A_325 : i32
      %mul3A_327 = arith.constant 200 : i32
      %mul3A_328 = arith.muli %add3A_326, %mul3A_327 : i32
      %multiple_of3A_329 = tpu.assume_multiple %mul3A_328, 8 : i32
      %dma_start3A_330 = arith.constant 1 : i32
      %dma_start3A_331 = arith.constant 0 : i32
      %dma_start3A_332 = arith.constant 0 : i32
      %dma_start3A_333 = tpu.memref_slice %arg6[%dma_start3A_330, %dma_start3A_331, %dma_start3A_332] : memref<4x200x128xf32, #tpu.memory_space<vmem>> -> memref<1x200x128xf32, #tpu.memory_space<vmem>>
      %dma_start3A_334 = tpu.memref_squeeze %dma_start3A_333 : memref<1x200x128xf32, #tpu.memory_space<vmem>> -> memref<200x128xf32, #tpu.memory_space<vmem>>
      %dma_start3A_335 = tpu.memref_slice %arg5[%multiple_of3A_329] : memref<25600xi32, #tpu.memory_space<vmem>> -> memref<200xi32, #tpu.memory_space<vmem>>
      %dma_start3A_336 = arith.constant 0 : i32
      %dma_start3A_337 = arith.constant 0 : i32
      %dma_start3A_338 = tpu.memref_slice %arg3[%dma_start3A_336, %dma_start3A_337] : memref<1000000x128xf32, #tpu.memory_space<hbm>> -> memref<1000000x128xf32, #tpu.memory_space<hbm>>
      tpu.enqueue_indirect_dma source(%dma_start3A_338 : memref<1000000x128xf32, #tpu.memory_space<hbm>>) target(%dma_start3A_334 : memref<200x128xf32, #tpu.memory_space<vmem>>) offsets(%dma_start3A_335 : memref<200xi32, #tpu.memory_space<vmem>>) semaphore(%arg8 : memref<!tpu.dma_semaphore, #tpu.memory_space<semaphore_mem>>)
      %dma_wait3A_339 = arith.constant 2 : i32
      %dma_wait3A_340 = arith.constant 0 : i32
      %dma_wait3A_341 = arith.constant 0 : i32
      %dma_wait3A_342 = tpu.memref_slice %arg6[%dma_wait3A_339, %dma_wait3A_340, %dma_wait3A_341] : memref<4x200x128xf32, #tpu.memory_space<vmem>> -> memref<1x200x128xf32, #tpu.memory_space<vmem>>
      %dma_wait3A_343 = tpu.memref_squeeze %dma_wait3A_342 : memref<1x200x128xf32, #tpu.memory_space<vmem>> -> memref<200x128xf32, #tpu.memory_space<vmem>>
      %dma_wait3A_344 = arith.constant 0 : i32
      %dma_wait3A_345 = tpu.memref_slice %arg5[%dma_wait3A_344] : memref<25600xi32, #tpu.memory_space<vmem>> -> memref<200xi32, #tpu.memory_space<vmem>>
      %dma_wait3A_346 = arith.constant 0 : i32
      %dma_wait3A_347 = arith.constant 0 : i32
      %dma_wait3A_348 = tpu.memref_slice %arg3[%dma_wait3A_346, %dma_wait3A_347] : memref<1000000x128xf32, #tpu.memory_space<hbm>> -> memref<1000000x128xf32, #tpu.memory_space<hbm>>
      tpu.wait_indirect_dma semaphore(%arg9 : memref<!tpu.dma_semaphore, #tpu.memory_space<semaphore_mem>>) src(%dma_wait3A_348 : memref<1000000x128xf32, #tpu.memory_space<hbm>>) dst(%dma_wait3A_343 : memref<200x128xf32, #tpu.memory_space<vmem>>)
      %add3A_349 = arith.constant 2 : i32
      %add3A_350 = arith.addi %mul3A_218, %add3A_349 : i32
      %mul3A_351 = arith.constant 200 : i32
      %mul3A_352 = arith.muli %add3A_350, %mul3A_351 : i32
      %add3A_353 = arith.addi %mul3A_2, %mul3A_352 : i32
      %multiple_of3A_354 = tpu.assume_multiple %add3A_353, 8 : i32
      %dma_start3A_355 = arith.constant 2 : i32
      %dma_start3A_356 = arith.constant 0 : i32
      %dma_start3A_357 = arith.constant 0 : i32
      %dma_start3A_358 = tpu.memref_slice %arg6[%dma_start3A_355, %dma_start3A_356, %dma_start3A_357] : memref<4x200x128xf32, #tpu.memory_space<vmem>> -> memref<1x200x64xf32, #tpu.memory_space<vmem>>
      %dma_start3A_359 = tpu.memref_squeeze %dma_start3A_358 : memref<1x200x64xf32, #tpu.memory_space<vmem>> -> memref<200x64xf32, #tpu.memory_space<vmem>>
      %dma_start3A_360 = arith.constant 0 : i32
      %dma_start3A_361 = tpu.memref_slice %arg4[%multiple_of3A_354, %dma_start3A_360] : memref<819200x128xf32, #tpu.memory_space<hbm>> -> memref<200x64xf32, #tpu.memory_space<hbm>>
      %dma_start3A_362 = arith.constant 0 : i32
      %dma_start3A_363 = tpu.memref_slice %arg4[%multiple_of3A_354, %dma_start3A_362] : memref<819200x128xf32, #tpu.memory_space<hbm>> -> memref<200x64xf32, #tpu.memory_space<hbm>>
      %dma_start3A_364 = arith.constant 0 : i32
      %dma_start3A_365 = arith.constant 0 : i32
      %dma_start3A_366 = tpu.memref_slice %arg6[%dma_start3A_355, %dma_start3A_364, %dma_start3A_365] : memref<4x200x128xf32, #tpu.memory_space<vmem>> -> memref<1x200x64xf32, #tpu.memory_space<vmem>>
      %dma_start3A_367 = tpu.memref_squeeze %dma_start3A_366 : memref<1x200x64xf32, #tpu.memory_space<vmem>> -> memref<200x64xf32, #tpu.memory_space<vmem>>
      tpu.enqueue_dma source(%dma_start3A_367 : memref<200x64xf32, #tpu.memory_space<vmem>>) target(%dma_start3A_363 : memref<200x64xf32, #tpu.memory_space<hbm>>) target_semaphore(%arg13 : memref<!tpu.dma_semaphore, #tpu.memory_space<semaphore_mem>>)
      %dma_wait3A_368 = arith.constant 2 : i32
      %dma_wait3A_369 = arith.constant 0 : i32
      %dma_wait3A_370 = arith.constant 0 : i32
      %dma_wait3A_371 = tpu.memref_slice %arg6[%dma_wait3A_368, %dma_wait3A_369, %dma_wait3A_370] : memref<4x200x128xf32, #tpu.memory_space<vmem>> -> memref<1x200x64xf32, #tpu.memory_space<vmem>>
      %dma_wait3A_372 = tpu.memref_squeeze %dma_wait3A_371 : memref<1x200x64xf32, #tpu.memory_space<vmem>> -> memref<200x64xf32, #tpu.memory_space<vmem>>
      %dma_wait3A_373 = arith.constant 0 : i32
      %dma_wait3A_374 = arith.constant 0 : i32
      %dma_wait3A_375 = tpu.memref_slice %arg4[%dma_wait3A_373, %dma_wait3A_374] : memref<819200x128xf32, #tpu.memory_space<hbm>> -> memref<200x64xf32, #tpu.memory_space<hbm>>
      %dma_wait3A_376 = arith.constant 0 : i32
      %dma_wait3A_377 = arith.constant 0 : i32
      %dma_wait3A_378 = tpu.memref_slice %arg4[%dma_wait3A_376, %dma_wait3A_377] : memref<819200x128xf32, #tpu.memory_space<hbm>> -> memref<200x64xf32, #tpu.memory_space<hbm>>
      %dma_wait3A_379 = arith.constant 0 : i32
      %dma_wait3A_380 = arith.constant 0 : i32
      %dma_wait3A_381 = tpu.memref_slice %arg6[%dma_wait3A_368, %dma_wait3A_379, %dma_wait3A_380] : memref<4x200x128xf32, #tpu.memory_space<vmem>> -> memref<1x200x64xf32, #tpu.memory_space<vmem>>
      %dma_wait3A_382 = tpu.memref_squeeze %dma_wait3A_381 : memref<1x200x64xf32, #tpu.memory_space<vmem>> -> memref<200x64xf32, #tpu.memory_space<vmem>>
      tpu.wait_dma2 semaphore(%arg13 : memref<!tpu.dma_semaphore, #tpu.memory_space<semaphore_mem>>) src(%dma_wait3A_382 : memref<200x64xf32, #tpu.memory_space<vmem>>) dst(%dma_wait3A_378 : memref<200x64xf32, #tpu.memory_space<hbm>>)
      %add3A_383 = arith.constant 4 : i32
      %add3A_384 = arith.addi %mul3A_218, %add3A_383 : i32
      %add3A_385 = arith.constant 2 : i32
      %add3A_386 = arith.addi %add3A_384, %add3A_385 : i32
      %mul3A_387 = arith.constant 200 : i32
      %mul3A_388 = arith.muli %add3A_386, %mul3A_387 : i32
      %multiple_of3A_389 = tpu.assume_multiple %mul3A_388, 8 : i32
      %dma_start3A_390 = arith.constant 2 : i32
      %dma_start3A_391 = arith.constant 0 : i32
      %dma_start3A_392 = arith.constant 0 : i32
      %dma_start3A_393 = tpu.memref_slice %arg6[%dma_start3A_390, %dma_start3A_391, %dma_start3A_392] : memref<4x200x128xf32, #tpu.memory_space<vmem>> -> memref<1x200x128xf32, #tpu.memory_space<vmem>>
      %dma_start3A_394 = tpu.memref_squeeze %dma_start3A_393 : memref<1x200x128xf32, #tpu.memory_space<vmem>> -> memref<200x128xf32, #tpu.memory_space<vmem>>
      %dma_start3A_395 = tpu.memref_slice %arg5[%multiple_of3A_389] : memref<25600xi32, #tpu.memory_space<vmem>> -> memref<200xi32, #tpu.memory_space<vmem>>
      %dma_start3A_396 = arith.constant 0 : i32
      %dma_start3A_397 = arith.constant 0 : i32
      %dma_start3A_398 = tpu.memref_slice %arg3[%dma_start3A_396, %dma_start3A_397] : memref<1000000x128xf32, #tpu.memory_space<hbm>> -> memref<1000000x128xf32, #tpu.memory_space<hbm>>
      tpu.enqueue_indirect_dma source(%dma_start3A_398 : memref<1000000x128xf32, #tpu.memory_space<hbm>>) target(%dma_start3A_394 : memref<200x128xf32, #tpu.memory_space<vmem>>) offsets(%dma_start3A_395 : memref<200xi32, #tpu.memory_space<vmem>>) semaphore(%arg9 : memref<!tpu.dma_semaphore, #tpu.memory_space<semaphore_mem>>)
      %dma_wait3A_399 = arith.constant 3 : i32
      %dma_wait3A_400 = arith.constant 0 : i32
      %dma_wait3A_401 = arith.constant 0 : i32
      %dma_wait3A_402 = tpu.memref_slice %arg6[%dma_wait3A_399, %dma_wait3A_400, %dma_wait3A_401] : memref<4x200x128xf32, #tpu.memory_space<vmem>> -> memref<1x200x128xf32, #tpu.memory_space<vmem>>
      %dma_wait3A_403 = tpu.memref_squeeze %dma_wait3A_402 : memref<1x200x128xf32, #tpu.memory_space<vmem>> -> memref<200x128xf32, #tpu.memory_space<vmem>>
      %dma_wait3A_404 = arith.constant 0 : i32
      %dma_wait3A_405 = tpu.memref_slice %arg5[%dma_wait3A_404] : memref<25600xi32, #tpu.memory_space<vmem>> -> memref<200xi32, #tpu.memory_space<vmem>>
      %dma_wait3A_406 = arith.constant 0 : i32
      %dma_wait3A_407 = arith.constant 0 : i32
      %dma_wait3A_408 = tpu.memref_slice %arg3[%dma_wait3A_406, %dma_wait3A_407] : memref<1000000x128xf32, #tpu.memory_space<hbm>> -> memref<1000000x128xf32, #tpu.memory_space<hbm>>
      tpu.wait_indirect_dma semaphore(%arg10 : memref<!tpu.dma_semaphore, #tpu.memory_space<semaphore_mem>>) src(%dma_wait3A_408 : memref<1000000x128xf32, #tpu.memory_space<hbm>>) dst(%dma_wait3A_403 : memref<200x128xf32, #tpu.memory_space<vmem>>)
      %add3A_409 = arith.constant 3 : i32
      %add3A_410 = arith.addi %mul3A_218, %add3A_409 : i32
      %mul3A_411 = arith.constant 200 : i32
      %mul3A_412 = arith.muli %add3A_410, %mul3A_411 : i32
      %add3A_413 = arith.addi %mul3A_2, %mul3A_412 : i32
      %multiple_of3A_414 = tpu.assume_multiple %add3A_413, 8 : i32
      %dma_start3A_415 = arith.constant 3 : i32
      %dma_start3A_416 = arith.constant 0 : i32
      %dma_start3A_417 = arith.constant 0 : i32
      %dma_start3A_418 = tpu.memref_slice %arg6[%dma_start3A_415, %dma_start3A_416, %dma_start3A_417] : memref<4x200x128xf32, #tpu.memory_space<vmem>> -> memref<1x200x64xf32, #tpu.memory_space<vmem>>
      %dma_start3A_419 = tpu.memref_squeeze %dma_start3A_418 : memref<1x200x64xf32, #tpu.memory_space<vmem>> -> memref<200x64xf32, #tpu.memory_space<vmem>>
      %dma_start3A_420 = arith.constant 0 : i32
      %dma_start3A_421 = tpu.memref_slice %arg4[%multiple_of3A_414, %dma_start3A_420] : memref<819200x128xf32, #tpu.memory_space<hbm>> -> memref<200x64xf32, #tpu.memory_space<hbm>>
      %dma_start3A_422 = arith.constant 0 : i32
      %dma_start3A_423 = tpu.memref_slice %arg4[%multiple_of3A_414, %dma_start3A_422] : memref<819200x128xf32, #tpu.memory_space<hbm>> -> memref<200x64xf32, #tpu.memory_space<hbm>>
      %dma_start3A_424 = arith.constant 0 : i32
      %dma_start3A_425 = arith.constant 0 : i32
      %dma_start3A_426 = tpu.memref_slice %arg6[%dma_start3A_415, %dma_start3A_424, %dma_start3A_425] : memref<4x200x128xf32, #tpu.memory_space<vmem>> -> memref<1x200x64xf32, #tpu.memory_space<vmem>>
      %dma_start3A_427 = tpu.memref_squeeze %dma_start3A_426 : memref<1x200x64xf32, #tpu.memory_space<vmem>> -> memref<200x64xf32, #tpu.memory_space<vmem>>
      tpu.enqueue_dma source(%dma_start3A_427 : memref<200x64xf32, #tpu.memory_space<vmem>>) target(%dma_start3A_423 : memref<200x64xf32, #tpu.memory_space<hbm>>) target_semaphore(%arg14 : memref<!tpu.dma_semaphore, #tpu.memory_space<semaphore_mem>>)
      %dma_wait3A_428 = arith.constant 3 : i32
      %dma_wait3A_429 = arith.constant 0 : i32
      %dma_wait3A_430 = arith.constant 0 : i32
      %dma_wait3A_431 = tpu.memref_slice %arg6[%dma_wait3A_428, %dma_wait3A_429, %dma_wait3A_430] : memref<4x200x128xf32, #tpu.memory_space<vmem>> -> memref<1x200x64xf32, #tpu.memory_space<vmem>>
      %dma_wait3A_432 = tpu.memref_squeeze %dma_wait3A_431 : memref<1x200x64xf32, #tpu.memory_space<vmem>> -> memref<200x64xf32, #tpu.memory_space<vmem>>
      %dma_wait3A_433 = arith.constant 0 : i32
      %dma_wait3A_434 = arith.constant 0 : i32
      %dma_wait3A_435 = tpu.memref_slice %arg4[%dma_wait3A_433, %dma_wait3A_434] : memref<819200x128xf32, #tpu.memory_space<hbm>> -> memref<200x64xf32, #tpu.memory_space<hbm>>
      %dma_wait3A_436 = arith.constant 0 : i32
      %dma_wait3A_437 = arith.constant 0 : i32
      %dma_wait3A_438 = tpu.memref_slice %arg4[%dma_wait3A_436, %dma_wait3A_437] : memref<819200x128xf32, #tpu.memory_space<hbm>> -> memref<200x64xf32, #tpu.memory_space<hbm>>
      %dma_wait3A_439 = arith.constant 0 : i32
      %dma_wait3A_440 = arith.constant 0 : i32
      %dma_wait3A_441 = tpu.memref_slice %arg6[%dma_wait3A_428, %dma_wait3A_439, %dma_wait3A_440] : memref<4x200x128xf32, #tpu.memory_space<vmem>> -> memref<1x200x64xf32, #tpu.memory_space<vmem>>
      %dma_wait3A_442 = tpu.memref_squeeze %dma_wait3A_441 : memref<1x200x64xf32, #tpu.memory_space<vmem>> -> memref<200x64xf32, #tpu.memory_space<vmem>>
      tpu.wait_dma2 semaphore(%arg14 : memref<!tpu.dma_semaphore, #tpu.memory_space<semaphore_mem>>) src(%dma_wait3A_442 : memref<200x64xf32, #tpu.memory_space<vmem>>) dst(%dma_wait3A_438 : memref<200x64xf32, #tpu.memory_space<hbm>>)
      %add3A_443 = arith.constant 4 : i32
      %add3A_444 = arith.addi %mul3A_218, %add3A_443 : i32
      %add3A_445 = arith.constant 3 : i32
      %add3A_446 = arith.addi %add3A_444, %add3A_445 : i32
      %mul3A_447 = arith.constant 200 : i32
      %mul3A_448 = arith.muli %add3A_446, %mul3A_447 : i32
      %multiple_of3A_449 = tpu.assume_multiple %mul3A_448, 8 : i32
      %dma_start3A_450 = arith.constant 3 : i32
      %dma_start3A_451 = arith.constant 0 : i32
      %dma_start3A_452 = arith.constant 0 : i32
      %dma_start3A_453 = tpu.memref_slice %arg6[%dma_start3A_450, %dma_start3A_451, %dma_start3A_452] : memref<4x200x128xf32, #tpu.memory_space<vmem>> -> memref<1x200x128xf32, #tpu.memory_space<vmem>>
      %dma_start3A_454 = tpu.memref_squeeze %dma_start3A_453 : memref<1x200x128xf32, #tpu.memory_space<vmem>> -> memref<200x128xf32, #tpu.memory_space<vmem>>
      %dma_start3A_455 = tpu.memref_slice %arg5[%multiple_of3A_449] : memref<25600xi32, #tpu.memory_space<vmem>> -> memref<200xi32, #tpu.memory_space<vmem>>
      %dma_start3A_456 = arith.constant 0 : i32
      %dma_start3A_457 = arith.constant 0 : i32
      %dma_start3A_458 = tpu.memref_slice %arg3[%dma_start3A_456, %dma_start3A_457] : memref<1000000x128xf32, #tpu.memory_space<hbm>> -> memref<1000000x128xf32, #tpu.memory_space<hbm>>
      tpu.enqueue_indirect_dma source(%dma_start3A_458 : memref<1000000x128xf32, #tpu.memory_space<hbm>>) target(%dma_start3A_454 : memref<200x128xf32, #tpu.memory_space<vmem>>) offsets(%dma_start3A_455 : memref<200xi32, #tpu.memory_space<vmem>>) semaphore(%arg10 : memref<!tpu.dma_semaphore, #tpu.memory_space<semaphore_mem>>)
    }
    %scan3A_48 = arith.constant 31 : i32
    %dma_wait3A = arith.constant 0 : i32
    %dma_wait3A_49 = arith.constant 0 : i32
    %dma_wait3A_50 = arith.constant 0 : i32
    %dma_wait3A_51 = tpu.memref_slice %arg6[%dma_wait3A, %dma_wait3A_49, %dma_wait3A_50] : memref<4x200x128xf32, #tpu.memory_space<vmem>> -> memref<1x200x128xf32, #tpu.memory_space<vmem>>
    %dma_wait3A_52 = tpu.memref_squeeze %dma_wait3A_51 : memref<1x200x128xf32, #tpu.memory_space<vmem>> -> memref<200x128xf32, #tpu.memory_space<vmem>>
    %dma_wait3A_53 = arith.constant 0 : i32
    %dma_wait3A_54 = tpu.memref_slice %arg5[%dma_wait3A_53] : memref<25600xi32, #tpu.memory_space<vmem>> -> memref<200xi32, #tpu.memory_space<vmem>>
    %dma_wait3A_55 = arith.constant 0 : i32
    %dma_wait3A_56 = arith.constant 0 : i32
    %dma_wait3A_57 = tpu.memref_slice %arg3[%dma_wait3A_55, %dma_wait3A_56] : memref<1000000x128xf32, #tpu.memory_space<hbm>> -> memref<1000000x128xf32, #tpu.memory_space<hbm>>
    tpu.wait_indirect_dma semaphore(%arg7 : memref<!tpu.dma_semaphore, #tpu.memory_space<semaphore_mem>>) src(%dma_wait3A_57 : memref<1000000x128xf32, #tpu.memory_space<hbm>>) dst(%dma_wait3A_52 : memref<200x128xf32, #tpu.memory_space<vmem>>)
    %add3A_58 = arith.constant 24800 : i32
    %add3A_59 = arith.addi %mul3A_2, %add3A_58 : i32
    %multiple_of3A_60 = tpu.assume_multiple %add3A_59, 8 : i32
    %dma_start3A_61 = arith.constant 0 : i32
    %dma_start3A_62 = arith.constant 0 : i32
    %dma_start3A_63 = arith.constant 0 : i32
    %dma_start3A_64 = tpu.memref_slice %arg6[%dma_start3A_61, %dma_start3A_62, %dma_start3A_63] : memref<4x200x128xf32, #tpu.memory_space<vmem>> -> memref<1x200x64xf32, #tpu.memory_space<vmem>>
    %dma_start3A_65 = tpu.memref_squeeze %dma_start3A_64 : memref<1x200x64xf32, #tpu.memory_space<vmem>> -> memref<200x64xf32, #tpu.memory_space<vmem>>
    %dma_start3A_66 = arith.constant 0 : i32
    %dma_start3A_67 = tpu.memref_slice %arg4[%multiple_of3A_60, %dma_start3A_66] : memref<819200x128xf32, #tpu.memory_space<hbm>> -> memref<200x64xf32, #tpu.memory_space<hbm>>
    %dma_start3A_68 = arith.constant 0 : i32
    %dma_start3A_69 = tpu.memref_slice %arg4[%multiple_of3A_60, %dma_start3A_68] : memref<819200x128xf32, #tpu.memory_space<hbm>> -> memref<200x64xf32, #tpu.memory_space<hbm>>
    %dma_start3A_70 = arith.constant 0 : i32
    %dma_start3A_71 = arith.constant 0 : i32
    %dma_start3A_72 = tpu.memref_slice %arg6[%dma_start3A_61, %dma_start3A_70, %dma_start3A_71] : memref<4x200x128xf32, #tpu.memory_space<vmem>> -> memref<1x200x64xf32, #tpu.memory_space<vmem>>
    %dma_start3A_73 = tpu.memref_squeeze %dma_start3A_72 : memref<1x200x64xf32, #tpu.memory_space<vmem>> -> memref<200x64xf32, #tpu.memory_space<vmem>>
    tpu.enqueue_dma source(%dma_start3A_73 : memref<200x64xf32, #tpu.memory_space<vmem>>) target(%dma_start3A_69 : memref<200x64xf32, #tpu.memory_space<hbm>>) target_semaphore(%arg11 : memref<!tpu.dma_semaphore, #tpu.memory_space<semaphore_mem>>)
    %dma_wait3A_74 = arith.constant 1 : i32
    %dma_wait3A_75 = arith.constant 0 : i32
    %dma_wait3A_76 = arith.constant 0 : i32
    %dma_wait3A_77 = tpu.memref_slice %arg6[%dma_wait3A_74, %dma_wait3A_75, %dma_wait3A_76] : memref<4x200x128xf32, #tpu.memory_space<vmem>> -> memref<1x200x128xf32, #tpu.memory_space<vmem>>
    %dma_wait3A_78 = tpu.memref_squeeze %dma_wait3A_77 : memref<1x200x128xf32, #tpu.memory_space<vmem>> -> memref<200x128xf32, #tpu.memory_space<vmem>>
    %dma_wait3A_79 = arith.constant 0 : i32
    %dma_wait3A_80 = tpu.memref_slice %arg5[%dma_wait3A_79] : memref<25600xi32, #tpu.memory_space<vmem>> -> memref<200xi32, #tpu.memory_space<vmem>>
    %dma_wait3A_81 = arith.constant 0 : i32
    %dma_wait3A_82 = arith.constant 0 : i32
    %dma_wait3A_83 = tpu.memref_slice %arg3[%dma_wait3A_81, %dma_wait3A_82] : memref<1000000x128xf32, #tpu.memory_space<hbm>> -> memref<1000000x128xf32, #tpu.memory_space<hbm>>
    tpu.wait_indirect_dma semaphore(%arg8 : memref<!tpu.dma_semaphore, #tpu.memory_space<semaphore_mem>>) src(%dma_wait3A_83 : memref<1000000x128xf32, #tpu.memory_space<hbm>>) dst(%dma_wait3A_78 : memref<200x128xf32, #tpu.memory_space<vmem>>)
    %add3A_84 = arith.constant 25000 : i32
    %add3A_85 = arith.addi %mul3A_2, %add3A_84 : i32
    %multiple_of3A_86 = tpu.assume_multiple %add3A_85, 8 : i32
    %dma_start3A_87 = arith.constant 1 : i32
    %dma_start3A_88 = arith.constant 0 : i32
    %dma_start3A_89 = arith.constant 0 : i32
    %dma_start3A_90 = tpu.memref_slice %arg6[%dma_start3A_87, %dma_start3A_88, %dma_start3A_89] : memref<4x200x128xf32, #tpu.memory_space<vmem>> -> memref<1x200x64xf32, #tpu.memory_space<vmem>>
    %dma_start3A_91 = tpu.memref_squeeze %dma_start3A_90 : memref<1x200x64xf32, #tpu.memory_space<vmem>> -> memref<200x64xf32, #tpu.memory_space<vmem>>
    %dma_start3A_92 = arith.constant 0 : i32
    %dma_start3A_93 = tpu.memref_slice %arg4[%multiple_of3A_86, %dma_start3A_92] : memref<819200x128xf32, #tpu.memory_space<hbm>> -> memref<200x64xf32, #tpu.memory_space<hbm>>
    %dma_start3A_94 = arith.constant 0 : i32
    %dma_start3A_95 = tpu.memref_slice %arg4[%multiple_of3A_86, %dma_start3A_94] : memref<819200x128xf32, #tpu.memory_space<hbm>> -> memref<200x64xf32, #tpu.memory_space<hbm>>
    %dma_start3A_96 = arith.constant 0 : i32
    %dma_start3A_97 = arith.constant 0 : i32
    %dma_start3A_98 = tpu.memref_slice %arg6[%dma_start3A_87, %dma_start3A_96, %dma_start3A_97] : memref<4x200x128xf32, #tpu.memory_space<vmem>> -> memref<1x200x64xf32, #tpu.memory_space<vmem>>
    %dma_start3A_99 = tpu.memref_squeeze %dma_start3A_98 : memref<1x200x64xf32, #tpu.memory_space<vmem>> -> memref<200x64xf32, #tpu.memory_space<vmem>>
    tpu.enqueue_dma source(%dma_start3A_99 : memref<200x64xf32, #tpu.memory_space<vmem>>) target(%dma_start3A_95 : memref<200x64xf32, #tpu.memory_space<hbm>>) target_semaphore(%arg12 : memref<!tpu.dma_semaphore, #tpu.memory_space<semaphore_mem>>)
    %dma_wait3A_100 = arith.constant 2 : i32
    %dma_wait3A_101 = arith.constant 0 : i32
    %dma_wait3A_102 = arith.constant 0 : i32
    %dma_wait3A_103 = tpu.memref_slice %arg6[%dma_wait3A_100, %dma_wait3A_101, %dma_wait3A_102] : memref<4x200x128xf32, #tpu.memory_space<vmem>> -> memref<1x200x128xf32, #tpu.memory_space<vmem>>
    %dma_wait3A_104 = tpu.memref_squeeze %dma_wait3A_103 : memref<1x200x128xf32, #tpu.memory_space<vmem>> -> memref<200x128xf32, #tpu.memory_space<vmem>>
    %dma_wait3A_105 = arith.constant 0 : i32
    %dma_wait3A_106 = tpu.memref_slice %arg5[%dma_wait3A_105] : memref<25600xi32, #tpu.memory_space<vmem>> -> memref<200xi32, #tpu.memory_space<vmem>>
    %dma_wait3A_107 = arith.constant 0 : i32
    %dma_wait3A_108 = arith.constant 0 : i32
    %dma_wait3A_109 = tpu.memref_slice %arg3[%dma_wait3A_107, %dma_wait3A_108] : memref<1000000x128xf32, #tpu.memory_space<hbm>> -> memref<1000000x128xf32, #tpu.memory_space<hbm>>
    tpu.wait_indirect_dma semaphore(%arg9 : memref<!tpu.dma_semaphore, #tpu.memory_space<semaphore_mem>>) src(%dma_wait3A_109 : memref<1000000x128xf32, #tpu.memory_space<hbm>>) dst(%dma_wait3A_104 : memref<200x128xf32, #tpu.memory_space<vmem>>)
    %add3A_110 = arith.constant 25200 : i32
    %add3A_111 = arith.addi %mul3A_2, %add3A_110 : i32
    %multiple_of3A_112 = tpu.assume_multiple %add3A_111, 8 : i32
    %dma_start3A_113 = arith.constant 2 : i32
    %dma_start3A_114 = arith.constant 0 : i32
    %dma_start3A_115 = arith.constant 0 : i32
    %dma_start3A_116 = tpu.memref_slice %arg6[%dma_start3A_113, %dma_start3A_114, %dma_start3A_115] : memref<4x200x128xf32, #tpu.memory_space<vmem>> -> memref<1x200x64xf32, #tpu.memory_space<vmem>>
    %dma_start3A_117 = tpu.memref_squeeze %dma_start3A_116 : memref<1x200x64xf32, #tpu.memory_space<vmem>> -> memref<200x64xf32, #tpu.memory_space<vmem>>
    %dma_start3A_118 = arith.constant 0 : i32
    %dma_start3A_119 = tpu.memref_slice %arg4[%multiple_of3A_112, %dma_start3A_118] : memref<819200x128xf32, #tpu.memory_space<hbm>> -> memref<200x64xf32, #tpu.memory_space<hbm>>
    %dma_start3A_120 = arith.constant 0 : i32
    %dma_start3A_121 = tpu.memref_slice %arg4[%multiple_of3A_112, %dma_start3A_120] : memref<819200x128xf32, #tpu.memory_space<hbm>> -> memref<200x64xf32, #tpu.memory_space<hbm>>
    %dma_start3A_122 = arith.constant 0 : i32
    %dma_start3A_123 = arith.constant 0 : i32
    %dma_start3A_124 = tpu.memref_slice %arg6[%dma_start3A_113, %dma_start3A_122, %dma_start3A_123] : memref<4x200x128xf32, #tpu.memory_space<vmem>> -> memref<1x200x64xf32, #tpu.memory_space<vmem>>
    %dma_start3A_125 = tpu.memref_squeeze %dma_start3A_124 : memref<1x200x64xf32, #tpu.memory_space<vmem>> -> memref<200x64xf32, #tpu.memory_space<vmem>>
    tpu.enqueue_dma source(%dma_start3A_125 : memref<200x64xf32, #tpu.memory_space<vmem>>) target(%dma_start3A_121 : memref<200x64xf32, #tpu.memory_space<hbm>>) target_semaphore(%arg13 : memref<!tpu.dma_semaphore, #tpu.memory_space<semaphore_mem>>)
    %dma_wait3A_126 = arith.constant 3 : i32
    %dma_wait3A_127 = arith.constant 0 : i32
    %dma_wait3A_128 = arith.constant 0 : i32
    %dma_wait3A_129 = tpu.memref_slice %arg6[%dma_wait3A_126, %dma_wait3A_127, %dma_wait3A_128] : memref<4x200x128xf32, #tpu.memory_space<vmem>> -> memref<1x200x128xf32, #tpu.memory_space<vmem>>
    %dma_wait3A_130 = tpu.memref_squeeze %dma_wait3A_129 : memref<1x200x128xf32, #tpu.memory_space<vmem>> -> memref<200x128xf32, #tpu.memory_space<vmem>>
    %dma_wait3A_131 = arith.constant 0 : i32
    %dma_wait3A_132 = tpu.memref_slice %arg5[%dma_wait3A_131] : memref<25600xi32, #tpu.memory_space<vmem>> -> memref<200xi32, #tpu.memory_space<vmem>>
    %dma_wait3A_133 = arith.constant 0 : i32
    %dma_wait3A_134 = arith.constant 0 : i32
    %dma_wait3A_135 = tpu.memref_slice %arg3[%dma_wait3A_133, %dma_wait3A_134] : memref<1000000x128xf32, #tpu.memory_space<hbm>> -> memref<1000000x128xf32, #tpu.memory_space<hbm>>
    tpu.wait_indirect_dma semaphore(%arg10 : memref<!tpu.dma_semaphore, #tpu.memory_space<semaphore_mem>>) src(%dma_wait3A_135 : memref<1000000x128xf32, #tpu.memory_space<hbm>>) dst(%dma_wait3A_130 : memref<200x128xf32, #tpu.memory_space<vmem>>)
    %add3A_136 = arith.constant 25400 : i32
    %add3A_137 = arith.addi %mul3A_2, %add3A_136 : i32
    %multiple_of3A_138 = tpu.assume_multiple %add3A_137, 8 : i32
    %dma_start3A_139 = arith.constant 3 : i32
    %dma_start3A_140 = arith.constant 0 : i32
    %dma_start3A_141 = arith.constant 0 : i32
    %dma_start3A_142 = tpu.memref_slice %arg6[%dma_start3A_139, %dma_start3A_140, %dma_start3A_141] : memref<4x200x128xf32, #tpu.memory_space<vmem>> -> memref<1x200x64xf32, #tpu.memory_space<vmem>>
    %dma_start3A_143 = tpu.memref_squeeze %dma_start3A_142 : memref<1x200x64xf32, #tpu.memory_space<vmem>> -> memref<200x64xf32, #tpu.memory_space<vmem>>
    %dma_start3A_144 = arith.constant 0 : i32
    %dma_start3A_145 = tpu.memref_slice %arg4[%multiple_of3A_138, %dma_start3A_144] : memref<819200x128xf32, #tpu.memory_space<hbm>> -> memref<200x64xf32, #tpu.memory_space<hbm>>
    %dma_start3A_146 = arith.constant 0 : i32
    %dma_start3A_147 = tpu.memref_slice %arg4[%multiple_of3A_138, %dma_start3A_146] : memref<819200x128xf32, #tpu.memory_space<hbm>> -> memref<200x64xf32, #tpu.memory_space<hbm>>
    %dma_start3A_148 = arith.constant 0 : i32
    %dma_start3A_149 = arith.constant 0 : i32
    %dma_start3A_150 = tpu.memref_slice %arg6[%dma_start3A_139, %dma_start3A_148, %dma_start3A_149] : memref<4x200x128xf32, #tpu.memory_space<vmem>> -> memref<1x200x64xf32, #tpu.memory_space<vmem>>
    %dma_start3A_151 = tpu.memref_squeeze %dma_start3A_150 : memref<1x200x64xf32, #tpu.memory_space<vmem>> -> memref<200x64xf32, #tpu.memory_space<vmem>>
    tpu.enqueue_dma source(%dma_start3A_151 : memref<200x64xf32, #tpu.memory_space<vmem>>) target(%dma_start3A_147 : memref<200x64xf32, #tpu.memory_space<hbm>>) target_semaphore(%arg14 : memref<!tpu.dma_semaphore, #tpu.memory_space<semaphore_mem>>)
    %dma_wait3A_152 = arith.constant 0 : i32
    %dma_wait3A_153 = arith.constant 0 : i32
    %dma_wait3A_154 = arith.constant 0 : i32
    %dma_wait3A_155 = tpu.memref_slice %arg6[%dma_wait3A_152, %dma_wait3A_153, %dma_wait3A_154] : memref<4x200x128xf32, #tpu.memory_space<vmem>> -> memref<1x200x64xf32, #tpu.memory_space<vmem>>
    %dma_wait3A_156 = tpu.memref_squeeze %dma_wait3A_155 : memref<1x200x64xf32, #tpu.memory_space<vmem>> -> memref<200x64xf32, #tpu.memory_space<vmem>>
    %dma_wait3A_157 = arith.constant 0 : i32
    %dma_wait3A_158 = arith.constant 0 : i32
    %dma_wait3A_159 = tpu.memref_slice %arg4[%dma_wait3A_157, %dma_wait3A_158] : memref<819200x128xf32, #tpu.memory_space<hbm>> -> memref<200x64xf32, #tpu.memory_space<hbm>>
    %dma_wait3A_160 = arith.constant 0 : i32
    %dma_wait3A_161 = arith.constant 0 : i32
    %dma_wait3A_162 = tpu.memref_slice %arg4[%dma_wait3A_160, %dma_wait3A_161] : memref<819200x128xf32, #tpu.memory_space<hbm>> -> memref<200x64xf32, #tpu.memory_space<hbm>>
    %dma_wait3A_163 = arith.constant 0 : i32
    %dma_wait3A_164 = arith.constant 0 : i32
    %dma_wait3A_165 = tpu.memref_slice %arg6[%dma_wait3A_152, %dma_wait3A_163, %dma_wait3A_164] : memref<4x200x128xf32, #tpu.memory_space<vmem>> -> memref<1x200x64xf32, #tpu.memory_space<vmem>>
    %dma_wait3A_166 = tpu.memref_squeeze %dma_wait3A_165 : memref<1x200x64xf32, #tpu.memory_space<vmem>> -> memref<200x64xf32, #tpu.memory_space<vmem>>
    tpu.wait_dma2 semaphore(%arg11 : memref<!tpu.dma_semaphore, #tpu.memory_space<semaphore_mem>>) src(%dma_wait3A_166 : memref<200x64xf32, #tpu.memory_space<vmem>>) dst(%dma_wait3A_162 : memref<200x64xf32, #tpu.memory_space<hbm>>)
    %dma_wait3A_167 = arith.constant 1 : i32
    %dma_wait3A_168 = arith.constant 0 : i32
    %dma_wait3A_169 = arith.constant 0 : i32
    %dma_wait3A_170 = tpu.memref_slice %arg6[%dma_wait3A_167, %dma_wait3A_168, %dma_wait3A_169] : memref<4x200x128xf32, #tpu.memory_space<vmem>> -> memref<1x200x64xf32, #tpu.memory_space<vmem>>
    %dma_wait3A_171 = tpu.memref_squeeze %dma_wait3A_170 : memref<1x200x64xf32, #tpu.memory_space<vmem>> -> memref<200x64xf32, #tpu.memory_space<vmem>>
    %dma_wait3A_172 = arith.constant 0 : i32
    %dma_wait3A_173 = arith.constant 0 : i32
    %dma_wait3A_174 = tpu.memref_slice %arg4[%dma_wait3A_172, %dma_wait3A_173] : memref<819200x128xf32, #tpu.memory_space<hbm>> -> memref<200x64xf32, #tpu.memory_space<hbm>>
    %dma_wait3A_175 = arith.constant 0 : i32
    %dma_wait3A_176 = arith.constant 0 : i32
    %dma_wait3A_177 = tpu.memref_slice %arg4[%dma_wait3A_175, %dma_wait3A_176] : memref<819200x128xf32, #tpu.memory_space<hbm>> -> memref<200x64xf32, #tpu.memory_space<hbm>>
    %dma_wait3A_178 = arith.constant 0 : i32
    %dma_wait3A_179 = arith.constant 0 : i32
    %dma_wait3A_180 = tpu.memref_slice %arg6[%dma_wait3A_167, %dma_wait3A_178, %dma_wait3A_179] : memref<4x200x128xf32, #tpu.memory_space<vmem>> -> memref<1x200x64xf32, #tpu.memory_space<vmem>>
    %dma_wait3A_181 = tpu.memref_squeeze %dma_wait3A_180 : memref<1x200x64xf32, #tpu.memory_space<vmem>> -> memref<200x64xf32, #tpu.memory_space<vmem>>
    tpu.wait_dma2 semaphore(%arg12 : memref<!tpu.dma_semaphore, #tpu.memory_space<semaphore_mem>>) src(%dma_wait3A_181 : memref<200x64xf32, #tpu.memory_space<vmem>>) dst(%dma_wait3A_177 : memref<200x64xf32, #tpu.memory_space<hbm>>)
    %dma_wait3A_182 = arith.constant 2 : i32
    %dma_wait3A_183 = arith.constant 0 : i32
    %dma_wait3A_184 = arith.constant 0 : i32
    %dma_wait3A_185 = tpu.memref_slice %arg6[%dma_wait3A_182, %dma_wait3A_183, %dma_wait3A_184] : memref<4x200x128xf32, #tpu.memory_space<vmem>> -> memref<1x200x64xf32, #tpu.memory_space<vmem>>
    %dma_wait3A_186 = tpu.memref_squeeze %dma_wait3A_185 : memref<1x200x64xf32, #tpu.memory_space<vmem>> -> memref<200x64xf32, #tpu.memory_space<vmem>>
    %dma_wait3A_187 = arith.constant 0 : i32
    %dma_wait3A_188 = arith.constant 0 : i32
    %dma_wait3A_189 = tpu.memref_slice %arg4[%dma_wait3A_187, %dma_wait3A_188] : memref<819200x128xf32, #tpu.memory_space<hbm>> -> memref<200x64xf32, #tpu.memory_space<hbm>>
    %dma_wait3A_190 = arith.constant 0 : i32
    %dma_wait3A_191 = arith.constant 0 : i32
    %dma_wait3A_192 = tpu.memref_slice %arg4[%dma_wait3A_190, %dma_wait3A_191] : memref<819200x128xf32, #tpu.memory_space<hbm>> -> memref<200x64xf32, #tpu.memory_space<hbm>>
    %dma_wait3A_193 = arith.constant 0 : i32
    %dma_wait3A_194 = arith.constant 0 : i32
    %dma_wait3A_195 = tpu.memref_slice %arg6[%dma_wait3A_182, %dma_wait3A_193, %dma_wait3A_194] : memref<4x200x128xf32, #tpu.memory_space<vmem>> -> memref<1x200x64xf32, #tpu.memory_space<vmem>>
    %dma_wait3A_196 = tpu.memref_squeeze %dma_wait3A_195 : memref<1x200x64xf32, #tpu.memory_space<vmem>> -> memref<200x64xf32, #tpu.memory_space<vmem>>
    tpu.wait_dma2 semaphore(%arg13 : memref<!tpu.dma_semaphore, #tpu.memory_space<semaphore_mem>>) src(%dma_wait3A_196 : memref<200x64xf32, #tpu.memory_space<vmem>>) dst(%dma_wait3A_192 : memref<200x64xf32, #tpu.memory_space<hbm>>)
    %dma_wait3A_197 = arith.constant 3 : i32
    %dma_wait3A_198 = arith.constant 0 : i32
    %dma_wait3A_199 = arith.constant 0 : i32
    %dma_wait3A_200 = tpu.memref_slice %arg6[%dma_wait3A_197, %dma_wait3A_198, %dma_wait3A_199] : memref<4x200x128xf32, #tpu.memory_space<vmem>> -> memref<1x200x64xf32, #tpu.memory_space<vmem>>
    %dma_wait3A_201 = tpu.memref_squeeze %dma_wait3A_200 : memref<1x200x64xf32, #tpu.memory_space<vmem>> -> memref<200x64xf32, #tpu.memory_space<vmem>>
    %dma_wait3A_202 = arith.constant 0 : i32
    %dma_wait3A_203 = arith.constant 0 : i32
    %dma_wait3A_204 = tpu.memref_slice %arg4[%dma_wait3A_202, %dma_wait3A_203] : memref<819200x128xf32, #tpu.memory_space<hbm>> -> memref<200x64xf32, #tpu.memory_space<hbm>>
    %dma_wait3A_205 = arith.constant 0 : i32
    %dma_wait3A_206 = arith.constant 0 : i32
    %dma_wait3A_207 = tpu.memref_slice %arg4[%dma_wait3A_205, %dma_wait3A_206] : memref<819200x128xf32, #tpu.memory_space<hbm>> -> memref<200x64xf32, #tpu.memory_space<hbm>>
    %dma_wait3A_208 = arith.constant 0 : i32
    %dma_wait3A_209 = arith.constant 0 : i32
    %dma_wait3A_210 = tpu.memref_slice %arg6[%dma_wait3A_197, %dma_wait3A_208, %dma_wait3A_209] : memref<4x200x128xf32, #tpu.memory_space<vmem>> -> memref<1x200x64xf32, #tpu.memory_space<vmem>>
    %dma_wait3A_211 = tpu.memref_squeeze %dma_wait3A_210 : memref<1x200x64xf32, #tpu.memory_space<vmem>> -> memref<200x64xf32, #tpu.memory_space<vmem>>
    tpu.wait_dma2 semaphore(%arg14 : memref<!tpu.dma_semaphore, #tpu.memory_space<semaphore_mem>>) src(%dma_wait3A_211 : memref<200x64xf32, #tpu.memory_space<vmem>>) dst(%dma_wait3A_207 : memref<200x64xf32, #tpu.memory_space<hbm>>)
    return
  }
}

</mosaic_0001>

<sc_bundles>
// kernel: kernel.3.cloned.1.call-start
scs
__scs_entry_jumppad:
0x0: {  	(pc) =	sbr.rel $0x88, $3  }
0x1: {  	(tag) =	ssettag $0x0;
	lr =	simm.s32 $0x1  }
0x2: {  	[smem:$0x3F9F] =	sst lr;
	_ =	strace $0xD0000000  }
0x3: {  	_ = 	snop  }
0x4: {  	_ = 	snop  }
0x5: {  	_ = 	snop  }
0x6: {  	_ = 	snop  }
0x7: {  	_ = 	snop  }
__scs_overlays_trampoline_lowered:
0x8: {  	[smem:$0x3FAE] =	sst s0  }
0x9: {  	[smem:$0x3FAF] =	sst s1  }
0xa: {  	[smem:$0x3FB0] =	sst s2  }
0xb: {  	[smem:$0x3FB1] =	sst s3  }
0xc: {  	[smem:$0x3FB2] =	sst s4  }
0xd: {  	[smem:$0x3FB3] =	sst s5  }
0xe: {  	[smem:$0x3FB4] =	sst s6  }
0xf: {  	[smem:$0x3FB5] =	sst s7  }
0x10: {  	[smem:$0x3FB6] =	sst s8  }
0x11: {  	[smem:$0x3FB7] =	sst s9;
	s0 =	simm.s32 @!p0 $0x0  }
0x12: {  	s1 =	sld [smem:$0x3F9D];
	s0 =	simm.s32 @p0 $0x1  }
0x13: {  	[smem:$0x3FB8] =	sst s0;
	s0 =	simm.s32 @!p1 $0x0  }
0x14: {  	s2 =	sld [smem:$0x3F9C];
	s0 =	simm.s32 @p1 $0x1  }
0x15: {  	[smem:$0x3FB9] =	sst s0;
	s0 =	simm.s32 @!p2 $0x0  }
0x16: {  	s3 =	sld [smem:$0x3FDB];
	s0 =	simm.s32 @p2 $0x1  }
0x17: {  	s4 =	simm.s32 $0x1BF5;
	[smem:$0x3FBB] =	sst s0  }
0x18: {  	s0 =	sld [smem:$0x3F9E];
	_ =	swait.ge [sflag:s4], $0x0  }
0x19: {  	s7 =	sld [smem:$0x3F9F]  }
0x1a: {  	s8 =	sadd.s32 $0xFFFFE003, lr  }
0x1b: {  	s9 =	sadd.s32 $0xFFFFFEF7, lr;
	s5 =	simm.s32 $0xFFFFFFFF;
	p2 =	slt.u32 s8, $0xFFFFF086  }
0x1c: {  	p1 =	slt.u32 s9, $0xF7A;
	s5 =	simm.s32 @!p2 $0x0  }
0x1d: {  	s5 =	simm.s32 @p1 $0x1;
	p0 =	seq.s32 s7, s2  }
0x1e: {  	s7 =	smul.u32 @!p0 $0xF7A, s2;
	p2 =	seq.s32 @!p0 s5, $0x0  }
0x1f: {  	s9 =	smul.u32 $0xF7A, s1;
	s8 =	simm.s32 @!p0 $0x1BF5;
	p2 =	por !p2, p0  }
0x20: {  	[sflag:s8] =	ssyncset.s32 @!p0 $0xFFFFF086;
	s6 =	sadd.s32 @!p0 s3, s7;
	s7 =	simm.s32 @!p0 $0x108  }
0x21: {  	s3 =	sadd.s32 s3, s9;
	s6 =	sadd.s32 @!p0 $0x88, s6;
	s7 =	simm.s32 @p2 $0x1082  }
0x22: {  	[simem:s7], [sflag:s8] =	dma.local @!p0 [hbm:s6], $0xF7A  }
0x23: {  	s9 =	sor.u32 $0xD0000000, s2;
	s6 =	simm.s32 $0x108;
	_ =	swait.ge @!p0 [sflag:s8], $0x0  }
0x24: {  	s3 =	sadd.s32 $0x88, s3;
	s6 =	simm.s32 @!p1 $0x1082;
	[sflag:s4] =	ssyncset.s32 $0xFFFFF086  }
0x25: {  	[simem:s6], [sflag:s4] =	dma.local [hbm:s3], $0xF7A  }
0x26: {  	[smem:$0x3F9F] =	sst s1;
	(tag) =	ssettag s2;
	_ =	strace s9  }
0x27: {  	s1 =	sld [smem:$0x3FAF]  }
0x28: {  	s2 =	sld [smem:$0x3FB0]  }
0x29: {  	s4 =	sld [smem:$0x3FB2]  }
0x2a: {  	p0 =	seq.s32 s5, $0x0;
	s5 =	sld [smem:$0x3FB3]  }
0x2b: {  	s6 =	sld [smem:$0x3FB4]  }
0x2c: {  	s7 =	sld [smem:$0x3FB5]  }
0x2d: {  	s3 =	simm.s32 $0x108;
	s8 =	sld [smem:$0x3FB6]  }
0x2e: {  	s3 =	simm.s32 @!p0 $0x1082;
	s9 =	sld [smem:$0x3FB7]  }
0x2f: {  	lr =	sadd.s32 s0, s3;
	s0 =	sld [smem:$0x3FAE]  }
0x30: {  	s3 =	sld [smem:$0x3FB1]  }
0x31: {  	[smem:$0x3FBA] =	sst s10  }
0x32: {  	s10 =	sld [smem:$0x3FB8];
	_ =	sdelay $0x3  }
0x33: {  	p0 =	seq.s32 s10, $0x1;
	s10 =	sld [smem:$0x3FBA];
	_ =	sdelay $0x3  }
0x34: {  	[smem:$0x3FBA] =	sst s10  }
0x35: {  	s10 =	sld [smem:$0x3FB9];
	_ =	sdelay $0x3  }
0x36: {  	p1 =	seq.s32 s10, $0x1;
	s10 =	sld [smem:$0x3FBA];
	_ =	sdelay $0x3  }
0x37: {  	[smem:$0x3FBA] =	sst s10  }
0x38: {  	s10 =	sld [smem:$0x3FBB]  }
0x39: {  	_ = 	snop;
	(pc) =	sbr.ind lr, $3  }
0x3a: {  	_ = 	snop  }
0x3b: {  	_ = 	snop  }
0x3c: {  	p2 =	seq.s32 s10, $0x1;
	s10 =	sld [smem:$0x3FBA]  }
0x3d: {  	_ =	shalt  }
0x3e: {  	_ =	shalt  }
0x3f: {  	_ =	shalt  }
0x40: {  	_ =	shalt  }
0x41: {  	_ =	shalt  }
0x42: {  	_ =	shalt  }
0x43: {  	_ =	shalt  }
0x44: {  	_ =	shalt  }
0x45: {  	_ =	shalt  }
0x46: {  	_ =	shalt  }
0x47: {  	_ =	shalt  }
0x48: {  	_ =	shalt  }
0x49: {  	_ =	shalt  }
0x4a: {  	_ =	shalt  }
0x4b: {  	_ =	shalt  }
0x4c: {  	_ =	shalt  }
0x4d: {  	_ =	shalt  }
0x4e: {  	_ =	shalt  }
0x4f: {  	_ =	shalt  }
0x50: {  	_ =	shalt  }
0x51: {  	_ =	shalt  }
0x52: {  	_ =	shalt  }
0x53: {  	_ =	shalt  }
0x54: {  	_ =	shalt  }
0x55: {  	_ =	shalt  }
0x56: {  	_ =	shalt  }
0x57: {  	_ =	shalt  }
0x58: {  	_ =	shalt  }
0x59: {  	_ =	shalt  }
0x5a: {  	_ =	shalt  }
0x5b: {  	_ =	shalt  }
0x5c: {  	_ =	shalt  }
0x5d: {  	_ =	shalt  }
0x5e: {  	_ =	shalt  }
0x5f: {  	_ =	shalt  }
0x60: {  	_ =	shalt  }
0x61: {  	_ =	shalt  }
0x62: {  	_ =	shalt  }
0x63: {  	_ =	shalt  }
0x64: {  	_ =	shalt  }
0x65: {  	_ =	shalt  }
0x66: {  	_ =	shalt  }
0x67: {  	_ =	shalt  }
0x68: {  	_ =	shalt  }
0x69: {  	_ =	shalt  }
0x6a: {  	_ =	shalt  }
0x6b: {  	_ =	shalt  }
0x6c: {  	_ =	shalt  }
0x6d: {  	_ =	shalt  }
0x6e: {  	_ =	shalt  }
0x6f: {  	_ =	shalt  }
0x70: {  	_ =	shalt  }
0x71: {  	_ =	shalt  }
0x72: {  	_ =	shalt  }
0x73: {  	_ =	shalt  }
0x74: {  	_ =	shalt  }
0x75: {  	_ =	shalt  }
0x76: {  	_ =	shalt  }
0x77: {  	_ =	shalt  }
0x78: {  	_ =	shalt  }
0x79: {  	_ =	shalt  }
0x7a: {  	_ =	shalt  }
0x7b: {  	_ =	shalt  }
0x7c: {  	_ =	shalt  }
0x7d: {  	_ =	shalt  }
0x7e: {  	_ =	shalt  }
0x7f: {  	_ =	shalt  }
0x80: {  	_ =	shalt  }
0x81: {  	_ =	shalt  }
0x82: {  	_ =	shalt  }
0x83: {  	_ =	shalt  }
0x84: {  	_ =	shalt  }
0x85: {  	_ =	shalt  }
0x86: {  	_ =	shalt  }
0x87: {  	_ =	shalt  }
.Lfunc_end0:
.L_simem_size_0:
called_computation.1_lowered:
.L_overlay_start_0:
0x88: {  	s2 =	sld [smem:$0x3FD9]  }
0x89: {  	s3 =	sld [smem:$0x3FFE];
	_ =	sdelay $0x1  }
0x8a: {  	s1 =	srdreg.scid  }
0x8b: {  	s0 =	sand.u32 $0x1, s1  }
0x8c: {  	s17 =	sshll.u32 s0, $0xA;
	s2 =	sadd.s32 s3, s2  }
0x8d: {  	s2 =	sadd.s32 s2, s17  }
0x8e: {  	[smem:$0x3FC6] =	sst s2  }
0x8f: {  	_ = 	snop  }
0x90: {  	s2 =	sld [smem:$0x3FD0];
	(tm) =	ssettm $0x1  }
0x91: {  	s18 =	sld [smem:$0x3FFB];
	_ =	sdelay $0x3  }
0x92: {  	_ =	strace s18  }
0x93: {  	s3 =	sld [smem:$0x3FFC];
	_ =	sdelay $0x3  }
0x94: {  	_ =	strace s3  }
0x95: {  	s3 =	sld [smem:$0x3FFD];
	_ =	sdelay $0x3  }
0x96: {  	_ =	strace s3  }
0x97: {  	_ =	strace $0x8FFFFFFF  }
0x98: {  	s19 =	sld [smem:$0x3FDB];
	_ =	sdelay $0x1  }
0x99: {  	s4 =	simm.s32 $_scs_section_size  }
0x9a: {  	s5 =	simm.s32 $_size__tile_overlayer_lowered;
	s6 =	simm.s32 $_tile_overlayer_lowered  }
0x9b: {  	s22 =	simm.s32 $0x1BFF;
	s21 =	sshll.u32 s6, $0x1;
	s3 =	sadd.s32 s4, s19  }
0x9c: {  	s7 =	simm.s32 $0x0;
	s20 =	sshll.u32 s5, $0x1;
	s5 =	sadd.s32 s21, s3  }
0x9d: {  	[timem:s7], [sflag:s22] =	dma.local [hbm:s5], s20  }
0x9e: {  	_ =	swait.ge [sflag:s22], s20  }
0x9f: {  	s4 =	ssub.s32 $0x0, s20;
	[sflag:s22] =	ssyncset.done $0x0  }
0xa0: {  	[sflag:s22] =	ssyncadd.s32 s4;
	_ =	sdelay $0x1  }
0xa1: {  	s23 =	simm.s32 $0x1B8B  }
0xa2: {  	_ =	swait.ge [sflag:s23], $0x1  }
0xa3: {  	[sflag:s23] =	ssyncset.done $0x0  }
0xa4: {  	s25 =	simm.s32 $0x1B8E;
	s24 =	sld [smem:$0x3FFE];
	[sflag:s23] =	ssyncadd.s32 $0xFFFFFFFF  }
0xa5: {  	s26 =	simm.s32 $execute0_lowered;
	[smem:$0x3FD2] =	sst s25  }
0xa6: {  	s5 =	sshll.u32 s26, $0x1;
	_ =	strace $0x80000046;
	[dreg:$0x1] =	wrdreg $0xFFFFFFFF  }
0xa7: {  	s28 =	simm.s32 $_size_execute0_lowered;
	s3 =	sadd.s32 s3, s5;
	[dreg:$0x0] =	wrdreg $0x0  }
0xa8: {  	s5 =	sshll.u32 s28, $0x1;
	[dreg:$0x2] =	wrdreg s3  }
0xa9: {  	[dreg:$0x3] =	wrdreg s5  }
0xaa: {  	[dreg:$0x4] =	wrdreg $0xC0  }
0xab: {  	_ =	task [dreg:s7], $0x5FFFF  }
0xac: {  	[dreg:$0x1] =	wrdreg $0xFFFFFFFF  }
0xad: {  	[dreg:$0x0] =	wrdreg $0x60  }
0xae: {  	[dreg:$0x2] =	wrdreg s2  }
0xaf: {  	[dreg:$0x3] =	wrdreg s24  }
0xb0: {  	[dreg:$0x4] =	wrdreg $0x9  }
0xb1: {  	_ =	task.clear_ibuf [dreg:s7], $0x5FFFF;
	_ =	strace $0x90000046  }
0xb2: {  	s29 =	simm.s32 $0x9;
	_ =	strace $0x80000048  }
0xb3: {  	_ =	swait.ge [sflag:s29], $0x1  }
0xb4: {  	[sflag:s29] =	ssyncadd.s32 $0xFFFFFFFF  }
0xb5: {  	_ =	strace $0x90000048  }
0xb6: {  	_ =	sfence  }
0xb7: {  	s30 =	sld [smem:$0x0];
	_ =	sdelay $0x2  }
0xb8: {  	s31 =	sshll.u32 s1, $0xD;
	s1 =	sshrl.u32 s1, $0x2  }
0xb9: {  	s3 =	sand.u32 $0x4000, s31;
	s1 =	sadd.s32 s1, s30  }
0xba: {  	s0 =	sor.u32 s3, s0;
	s1 =	sshll.u32 s1, $0x11  }
0xbb: {  	s0 =	sor.u32 s1, s0  }
0xbc: {  	s0 =	sadd.s32 $0x8F2B, s0  }
0xbd: {  	[sflag:s0] =	ssyncadd.remote.s32 $0x1  }
0xbe: {  	_ =	sfence.sel $0xFFFF  }
0xbf: {  	[dreg:$0x0] =	wrdreg $0xFFFFFFFF;
	(pc) =	sbr.abs _section_cstart, $3  }
0xc0: {  	[dreg:$0x1] =	wrdreg $0xFFFFFFFF  }
0xc1: {  	_ =	task.clear_ibuf [dreg:s7], $0x2FFFF;
	_ =	strace $0x9FFFFFFF  }
0xc2: {  	(tm) =	ssettm $0x7FFFFFFF  }
0xc3: {  	_ =	shalt  }
tec
execute0_lowered:
.L_overlay_start_1:
0x0: {  	(tag) =	ssettag $0x1  }
0x1: {  	s0 =	rddreg [dreg:$0x0];
	s1 =	srdreg.scid  }
0x2: {  	s2 =	stileid.u32;
	s5 =	rddreg [dreg:$0x1];
	s16 =	simm.s32 $0xC8  }
0x3: {  	s18 =	simm.s32 $0xC800;
	s20 =	simm.s32 $0x12C00;
	s22 =	simm.s32 $0x19000  }
0x4: {  	s23 =	simm.s32 $0x1;
	s28 =	simm.s32 $0x3;
	s29 =	simm.s32 $0x7  }
0x5: {  	s30 =	simm.s32 $0x4;
	s1 =	sand.u32 $0x1, s1;
	s3 =	sshll.u32 s2, $0x1  }
0x6: {  	s31 =	simm.s32 $0x8;
	s2 =	simm.s32 $0x0;
	s4 =	sor.u32 s1, s3  }
0x7: {  	[smem:$0x7FF] =	sst s2;
	s1 =	ssub.s32 $0x2, s1;
	s3 =	smul.u32 $0x6400, s4  }
0x8: {  	_ =	strace $0x80000047;
	s6 =	smul.u32 $0x320000, s4;
	s7 =	sshrl.u32 s1, $0x1  }
0x9: {  	s4 =	sadd.s32 $0xF42E00, s5;
	s5 =	sadd.s32 $0xA00, s5;
	s1 =	ssub.s32 s1, s7  }
0xa: {  	s24 =	sshrl.u32 s3, $0x3;
	s6 =	sshrl.u32 s6, $0x3;
	s7 =	sor.u32 $0xC8, s3  }
0xb: {  	s8 =	sor.u32 $0x190, s3;
	s9 =	sor.u32 $0x258, s3;
	s26 =	smax.u32 s1, $0x1  }
0xc: {  	s1 =	simm.s32 $0x0;
	s0 =	sadd.s32 s0, s24;
	s25 =	sadd.s32 s5, s6  }
0xd: {  	[dreg:$0x4] =	wrdreg s26;
	s24 =	simm.s32 $0x5;
	s26 =	simm.s32 $0x6  }
0xe: {  	[dreg:$0x3] =	wrdreg s0;
	s10 =	sadd.s32 $0x60E00, s25;
	s11 =	sadd.s32 $0x61A80, s25  }
0xf: {  	s12 =	sadd.s32 $0x62700, s25;
	s13 =	sadd.s32 $0x63380, s25;
	s25 =	simm.s32 $0x2  }
.LBB2_1:
0x10: {  	[dreg:$0x5] =	wrdreg s1  }
0x11: {  	s0 =	rddreg [dreg:$0x3];
	s15 =	simm.s32 $0x9  }
0x12: {  	[tilespmem:s2], [sflag:$0x9] =	stream.linear.gather [hbm4b:s0+s2], $0x6400, $0x38;
	[tilespmem:$0x1F400] =	vst v63  }
0x13: {  	_ =	swait.ge [sflag:s15], $0x6400  }
0x14: {  	[sflag:s15] =	ssyncset.done $0x0  }
0x15: {  	s17 =	simm.s32 $0x6400;
	[sflag:s15] =	ssyncadd.s32 $0xFFFF9C00  }
0x16: {  	[tilespmem:s17], [sflag:$0x1] =	stream.indirect.gather [hbm4b:s4+s16], $0x80, s2, s16, $0xb8;
	[tilespmem:$0x1F400] =	vst v63  }
0x17: {  	_ = 	snop  }
0x18: {  	[tilespmem:s18], [sflag:$0x2] =	stream.indirect.gather [hbm4b:s4+s16], $0x80, s16, s16, $0xb8;
	[tilespmem:$0x1F400] =	vst v63  }
0x19: {  	s19 =	simm.s32 $0x190  }
0x1a: {  	[tilespmem:s20], [sflag:$0x3] =	stream.indirect.gather [hbm4b:s4+s16], $0x80, s19, s16, $0xb8;
	[tilespmem:$0x1F400] =	vst v63  }
0x1b: {  	s21 =	simm.s32 $0x258;
	s0 =	simm.s32 $0x0  }
0x1c: {  	[tilespmem:s22], [sflag:$0x4] =	stream.indirect.gather [hbm4b:s4+s16], $0x80, s21, s16, $0xb8;
	[tilespmem:$0x1F400] =	vst v63  }
.LBB2_2:
0x1d: {  	s19 =	smul.u32 $0x320, s0;
	_ =	sdelay $0x1  }
0x1e: {  	s1 =	sadd.s32 s3, s19  }
0x1f: {  	_ =	swait.ge [sflag:s23], $0x6400;
	s6 =	simm.s32 $0x6400;
	s1 =	sshll.u32 s1, $0x4  }
0x20: {  	s14 =	simm.s32 $0x10;
	[sflag:s23] =	ssyncset.done $0x0;
	s21 =	sadd.s32 s5, s1  }
0x21: {  	s15 =	simm.s32 $0x6480;
	[sflag:s23] =	ssyncadd.s32 $0xFFFF9C00;
	s1 =	sadd.s32 $0x0, s21  }
.LBB2_3:
0x22: {  	[hbm4b:s1+s2] =	stream.linear.scatter [tilespmem:s6], [sflag:$0x5], $0x40, $0x38;
	[tilespmem:$0x1F400] =	vst v63  }
0x23: {  	s1 =	smov.u32 s14;
	s6 =	smov.u32 s15;
	p0 =	sne.s32 s14, $0xC70  }
.Ltmp0:
0x24: {  	s14 =	sadd.s32 $0x10, s14;
	(pc) =	sbr.rel @p0 .LBB2_3-.Ltmp0, $2  }
0x25: {  	_ =	sdelay $0x2  }
0x26: {  	s15 =	sadd.s32 $0x80, s15;
	s1 =	sadd.s32 s1, s21  }
0x27: {  	[hbm4b:s1+s2] =	stream.linear.scatter [tilespmem:s6], [sflag:$0x5], $0x40, $0x38;
	[tilespmem:$0x1F400] =	vst v63  }
0x28: {  	s14 =	smul.u32 $0xC80, s0  }
0x29: {  	_ =	swait.ge [sflag:s24], $0x3200  }
0x2a: {  	s15 =	simm.s32 $0x6400;
	[sflag:s24] =	ssyncset.done $0x0;
	s21 =	sshra.s32 s14, $0x2  }
0x2b: {  	s17 =	sadd.s32 s19, s7;
	[sflag:s24] =	ssyncadd.s32 $0xFFFFCE00;
	s1 =	sadd.s32 $0x320, s21  }
0x2c: {  	[tilespmem:s15], [sflag:$0x1] =	stream.indirect.gather [hbm4b:s4+s16], $0x80, s1, s16, $0xb8;
	[tilespmem:$0x1F400] =	vst v63  }
0x2d: {  	s1 =	sshll.u32 s17, $0x4  }
0x2e: {  	s14 =	simm.s32 $0xC800;
	_ =	swait.ge [sflag:s25], $0x6400;
	s1 =	sand.u32 $0x1FFFFE80, s1  }
0x2f: {  	s15 =	simm.s32 $0x10;
	[sflag:s25] =	ssyncset.done $0x0;
	s6 =	sadd.s32 s5, s1  }
0x30: {  	s1 =	simm.s32 $0xC880;
	[sflag:s25] =	ssyncadd.s32 $0xFFFF9C00;
	s17 =	sadd.s32 $0x0, s6  }
.LBB2_5:
0x31: {  	[hbm4b:s17+s2] =	stream.linear.scatter [tilespmem:s14], [sflag:$0x6], $0x40, $0x38;
	[tilespmem:$0x1F400] =	vst v63  }
0x32: {  	s17 =	smov.u32 s15;
	s14 =	smov.u32 s1;
	p0 =	sne.s32 s15, $0xC70  }
.Ltmp1:
0x33: {  	s15 =	sadd.s32 $0x10, s15;
	(pc) =	sbr.rel @p0 .LBB2_5-.Ltmp1, $2  }
0x34: {  	_ =	sdelay $0x2  }
0x35: {  	s1 =	sadd.s32 $0x80, s1;
	s17 =	sadd.s32 s17, s6  }
0x36: {  	[hbm4b:s17+s2] =	stream.linear.scatter [tilespmem:s14], [sflag:$0x6], $0x40, $0x38;
	[tilespmem:$0x1F400] =	vst v63  }
0x37: {  	_ =	swait.ge [sflag:s26], $0x3200  }
0x38: {  	[sflag:s26] =	ssyncset.done $0x0  }
0x39: {  	s1 =	sadd.s32 $0x3E8, s21;
	s17 =	sadd.s32 s19, s8;
	[sflag:s26] =	ssyncadd.s32 $0xFFFFCE00  }
0x3a: {  	[tilespmem:s18], [sflag:$0x2] =	stream.indirect.gather [hbm4b:s4+s16], $0x80, s1, s16, $0xb8;
	[tilespmem:$0x1F400] =	vst v63  }
0x3b: {  	s1 =	sshll.u32 s17, $0x4  }
0x3c: {  	s14 =	simm.s32 $0x12C00;
	_ =	swait.ge [sflag:s28], $0x6400;
	s1 =	sand.u32 $0x1FFFFF00, s1  }
0x3d: {  	s15 =	simm.s32 $0x10;
	[sflag:s28] =	ssyncset.done $0x0;
	s6 =	sadd.s32 s5, s1  }
0x3e: {  	s1 =	simm.s32 $0x12C80;
	[sflag:s28] =	ssyncadd.s32 $0xFFFF9C00;
	s17 =	sadd.s32 $0x0, s6  }
.LBB2_7:
0x3f: {  	[hbm4b:s17+s2] =	stream.linear.scatter [tilespmem:s14], [sflag:$0x7], $0x40, $0x38;
	[tilespmem:$0x1F400] =	vst v63  }
0x40: {  	s17 =	smov.u32 s15;
	s14 =	smov.u32 s1;
	p0 =	sne.s32 s15, $0xC70  }
.Ltmp2:
0x41: {  	s15 =	sadd.s32 $0x10, s15;
	(pc) =	sbr.rel @p0 .LBB2_7-.Ltmp2, $2  }
0x42: {  	_ =	sdelay $0x2  }
0x43: {  	s1 =	sadd.s32 $0x80, s1;
	s17 =	sadd.s32 s17, s6  }
0x44: {  	[hbm4b:s17+s2] =	stream.linear.scatter [tilespmem:s14], [sflag:$0x7], $0x40, $0x38;
	[tilespmem:$0x1F400] =	vst v63  }
0x45: {  	_ =	swait.ge [sflag:s29], $0x3200  }
0x46: {  	[sflag:s29] =	ssyncset.done $0x0  }
0x47: {  	s1 =	sadd.s32 $0x4B0, s21;
	s19 =	sadd.s32 s19, s9;
	[sflag:s29] =	ssyncadd.s32 $0xFFFFCE00  }
0x48: {  	[tilespmem:s20], [sflag:$0x3] =	stream.indirect.gather [hbm4b:s4+s16], $0x80, s1, s16, $0xb8;
	[tilespmem:$0x1F400] =	vst v63  }
0x49: {  	s1 =	sshll.u32 s19, $0x4  }
0x4a: {  	s14 =	simm.s32 $0x19000;
	_ =	swait.ge [sflag:s30], $0x6400;
	s1 =	sand.u32 $0x1FFFFF80, s1  }
0x4b: {  	s15 =	simm.s32 $0x10;
	[sflag:s30] =	ssyncset.done $0x0;
	s6 =	sadd.s32 s5, s1  }
0x4c: {  	s1 =	simm.s32 $0x19080;
	[sflag:s30] =	ssyncadd.s32 $0xFFFF9C00;
	s17 =	sadd.s32 $0x0, s6  }
.LBB2_9:
0x4d: {  	[hbm4b:s17+s2] =	stream.linear.scatter [tilespmem:s14], [sflag:$0x8], $0x40, $0x38;
	[tilespmem:$0x1F400] =	vst v63  }
0x4e: {  	s17 =	smov.u32 s15;
	s14 =	smov.u32 s1;
	p0 =	sne.s32 s15, $0xC70  }
.Ltmp3:
0x4f: {  	s15 =	sadd.s32 $0x10, s15;
	(pc) =	sbr.rel @p0 .LBB2_9-.Ltmp3, $2  }
0x50: {  	_ =	sdelay $0x2  }
0x51: {  	s1 =	sadd.s32 $0x80, s1;
	s17 =	sadd.s32 s17, s6  }
0x52: {  	[hbm4b:s17+s2] =	stream.linear.scatter [tilespmem:s14], [sflag:$0x8], $0x40, $0x38;
	[tilespmem:$0x1F400] =	vst v63  }
0x53: {  	s0 =	sadd.s32 $0x1, s0  }
0x54: {  	p0 =	sne.s32 s0, $0x1F  }
.Ltmp4:
0x55: {  	_ = 	snop;
	(pc) =	sbr.rel @p0 .LBB2_2-.Ltmp4, $4  }
0x56: {  	_ =	swait.ge [sflag:s31], $0x3200  }
0x57: {  	[sflag:s31] =	ssyncset.done $0x0  }
0x58: {  	s1 =	sadd.s32 $0x578, s21;
	[sflag:s31] =	ssyncadd.s32 $0xFFFFCE00  }
0x59: {  	[tilespmem:s22], [sflag:$0x4] =	stream.indirect.gather [hbm4b:s4+s16], $0x80, s1, s16, $0xb8;
	[tilespmem:$0x1F400] =	vst v63  }
0x5a: {  	_ =	swait.ge [sflag:s23], $0x6400  }
0x5b: {  	s0 =	simm.s32 $0x6400;
	s6 =	simm.s32 $0x10;
	[sflag:s23] =	ssyncset.done $0x0  }
0x5c: {  	s14 =	sadd.s32 $0x0, s10;
	s1 =	simm.s32 $0x6480;
	[sflag:s23] =	ssyncadd.s32 $0xFFFF9C00  }
.LBB2_12:
0x5d: {  	[hbm4b:s14+s2] =	stream.linear.scatter [tilespmem:s0], [sflag:$0x5], $0x40, $0x38;
	[tilespmem:$0x1F400] =	vst v63  }
0x5e: {  	s14 =	smov.u32 s6;
	s0 =	smov.u32 s1;
	p0 =	sne.s32 s6, $0xC70  }
.Ltmp5:
0x5f: {  	s6 =	sadd.s32 $0x10, s6;
	(pc) =	sbr.rel @p0 .LBB2_12-.Ltmp5, $2  }
0x60: {  	_ =	sdelay $0x2  }
0x61: {  	s1 =	sadd.s32 $0x80, s1;
	s14 =	sadd.s32 s14, s10  }
0x62: {  	[hbm4b:s14+s2] =	stream.linear.scatter [tilespmem:s0], [sflag:$0x5], $0x40, $0x38;
	[tilespmem:$0x1F400] =	vst v63  }
0x63: {  	_ =	swait.ge [sflag:s25], $0x6400  }
0x64: {  	s0 =	simm.s32 $0xC800;
	s6 =	simm.s32 $0x10;
	[sflag:s25] =	ssyncset.done $0x0  }
0x65: {  	s14 =	sadd.s32 $0x0, s11;
	s1 =	simm.s32 $0xC880;
	[sflag:s25] =	ssyncadd.s32 $0xFFFF9C00  }
.LBB2_14:
0x66: {  	[hbm4b:s14+s2] =	stream.linear.scatter [tilespmem:s0], [sflag:$0x6], $0x40, $0x38;
	[tilespmem:$0x1F400] =	vst v63  }
0x67: {  	s14 =	smov.u32 s6;
	s0 =	smov.u32 s1;
	p0 =	sne.s32 s6, $0xC70  }
.Ltmp6:
0x68: {  	s6 =	sadd.s32 $0x10, s6;
	(pc) =	sbr.rel @p0 .LBB2_14-.Ltmp6, $2  }
0x69: {  	_ =	sdelay $0x2  }
0x6a: {  	s1 =	sadd.s32 $0x80, s1;
	s14 =	sadd.s32 s14, s11  }
0x6b: {  	[hbm4b:s14+s2] =	stream.linear.scatter [tilespmem:s0], [sflag:$0x6], $0x40, $0x38;
	[tilespmem:$0x1F400] =	vst v63  }
0x6c: {  	_ =	swait.ge [sflag:s28], $0x6400  }
0x6d: {  	s0 =	simm.s32 $0x12C00;
	s6 =	simm.s32 $0x10;
	[sflag:s28] =	ssyncset.done $0x0  }
0x6e: {  	s14 =	sadd.s32 $0x0, s12;
	s1 =	simm.s32 $0x12C80;
	[sflag:s28] =	ssyncadd.s32 $0xFFFF9C00  }
.LBB2_16:
0x6f: {  	[hbm4b:s14+s2] =	stream.linear.scatter [tilespmem:s0], [sflag:$0x7], $0x40, $0x38;
	[tilespmem:$0x1F400] =	vst v63  }
0x70: {  	s14 =	smov.u32 s6;
	s0 =	smov.u32 s1;
	p0 =	sne.s32 s6, $0xC70  }
.Ltmp7:
0x71: {  	s6 =	sadd.s32 $0x10, s6;
	(pc) =	sbr.rel @p0 .LBB2_16-.Ltmp7, $2  }
0x72: {  	_ =	sdelay $0x2  }
0x73: {  	s1 =	sadd.s32 $0x80, s1;
	s14 =	sadd.s32 s14, s12  }
0x74: {  	[hbm4b:s14+s2] =	stream.linear.scatter [tilespmem:s0], [sflag:$0x7], $0x40, $0x38;
	[tilespmem:$0x1F400] =	vst v63  }
0x75: {  	_ =	swait.ge [sflag:s30], $0x6400  }
0x76: {  	s0 =	simm.s32 $0x19000;
	s6 =	simm.s32 $0x10;
	[sflag:s30] =	ssyncset.done $0x0  }
0x77: {  	s14 =	sadd.s32 $0x0, s13;
	s1 =	simm.s32 $0x19080;
	[sflag:s30] =	ssyncadd.s32 $0xFFFF9C00  }
.LBB2_18:
0x78: {  	[hbm4b:s14+s2] =	stream.linear.scatter [tilespmem:s0], [sflag:$0x8], $0x40, $0x38;
	[tilespmem:$0x1F400] =	vst v63  }
0x79: {  	s14 =	smov.u32 s6;
	s0 =	smov.u32 s1;
	p0 =	sne.s32 s6, $0xC70  }
.Ltmp8:
0x7a: {  	s6 =	sadd.s32 $0x10, s6;
	(pc) =	sbr.rel @p0 .LBB2_18-.Ltmp8, $2  }
0x7b: {  	_ =	sdelay $0x2  }
0x7c: {  	s1 =	sadd.s32 $0x80, s1;
	s14 =	sadd.s32 s14, s13  }
0x7d: {  	[hbm4b:s14+s2] =	stream.linear.scatter [tilespmem:s0], [sflag:$0x8], $0x40, $0x38;
	[tilespmem:$0x1F400] =	vst v63  }
0x7e: {  	_ =	swait.ge [sflag:s24], $0x3200  }
0x7f: {  	[sflag:s24] =	ssyncset.done $0x0  }
0x80: {  	[sflag:s24] =	ssyncadd.s32 $0xFFFFCE00  }
0x81: {  	_ =	swait.ge [sflag:s26], $0x3200  }
0x82: {  	[sflag:s26] =	ssyncset.done $0x0  }
0x83: {  	[sflag:s26] =	ssyncadd.s32 $0xFFFFCE00  }
0x84: {  	_ =	swait.ge [sflag:s29], $0x3200  }
0x85: {  	[sflag:s29] =	ssyncset.done $0x0  }
0x86: {  	[sflag:s29] =	ssyncadd.s32 $0xFFFFCE00  }
0x87: {  	_ =	swait.ge [sflag:s31], $0x3200  }
0x88: {  	s1 =	rddreg [dreg:$0x5]  }
0x89: {  	s21 =	rddreg [dreg:$0x4];
	s1 =	sadd.s32 $0x1, s1  }
0x8a: {  	p0 =	sne.s32 s1, s21  }
.Ltmp9:
0x8b: {  	_ = 	snop;
	(pc) =	sbr.rel @p0 .LBB2_1-.Ltmp9, $3  }
0x8c: {  	_ =	sdelay $0x1  }
0x8d: {  	[sflag:s31] =	ssyncset.done $0x0  }
0x8e: {  	[sflag:s31] =	ssyncadd.s32 $0xFFFFCE00  }
0x8f: {  	_ =	sfence.sel $0x180000  }
0x90: {  	[bflag:$0x0] =	sbarrier.arrive $0xFFFF  }
0x91: {  	_ =	strace $0x90000047  }
0x92: {  	s0 =	stileid.u32;
	[bflag:$0x2] =	sbarrier.arrive $0xFFFF  }
0x93: {  	p0 =	sne.s32 s0, $0x0;
	s0 =	rddreg [dreg:$0x2]  }
0x94: {  	s0 =	sadd.s32 @!p0 $0x100000, s0  }
0x95: {  	[sflag:s0] =	ssyncadd.tile.s32 @!p0 $0x1;
	_ =	shalt  }
.Lfunc_end2:
_tile_overlayer_lowered:
.L_overlay_start_2:
0x96: {  	(tag) =	ssettag $0x2  }
0x97: {  	s0 =	rddreg [dreg:$0x0];
	s2 =	stileid.u32  }
0x98: {  	s1 =	rddreg [dreg:$0x1];
	p0 =	sne.s32 s2, $0x0  }
0x99: {  	s3 =	rddreg [dreg:$0x2];
	[bflag:$0x3] =	sbarrier.arrive $0xFFFF;
	s2 =	simm.s32 @!p0 $0x1C09  }
0x9a: {  	[timem:s3], [sflag:s2] =	dma.local @!p0 [hbm:s0], s1  }
0x9b: {  	s0 =	simm.s32 @!p0 $0x9  }
0x9c: {  	_ =	swait.ge @!p0 [sflag:s0], s1  }
0x9d: {  	s1 =	ssub.s32 @!p0 $0x0, s1;
	[sflag:s0] =	ssyncset.done @!p0 $0x0  }
0x9e: {  	[sflag:s0] =	ssyncadd.s32 @!p0 s1  }
0x9f: {  	[bflag:$0x3] =	sbarrier.arrive $0xFFFF  }
0xa0: {  	_ =	shalt  }

// kernel: sparse-core-data-format-call.cloned.1.call-start
scs
called_computation_lowered:
.L_overlay_start_0:
0x0: {  	s2 =	sld [smem:$0x3FD9]  }
0x1: {  	s3 =	sld [smem:$0x3FFE];
	_ =	sdelay $0x1  }
0x2: {  	s1 =	srdreg.scid  }
0x3: {  	s0 =	sand.u32 $0x1, s1  }
0x4: {  	s18 =	sshll.u32 s0, $0xA;
	s2 =	sadd.s32 s3, s2  }
0x5: {  	s2 =	sadd.s32 s2, s18  }
0x6: {  	[smem:$0x3FC6] =	sst s2  }
0x7: {  	_ = 	snop  }
0x8: {  	s2 =	sld [smem:$0x3FD0];
	(tm) =	ssettm $0x1  }
0x9: {  	s19 =	sld [smem:$0x3FFB];
	_ =	sdelay $0x3  }
0xa: {  	_ =	strace s19  }
0xb: {  	s3 =	sld [smem:$0x3FFC];
	_ =	sdelay $0x3  }
0xc: {  	_ =	strace s3  }
0xd: {  	s3 =	sld [smem:$0x3FFD];
	_ =	sdelay $0x3  }
0xe: {  	_ =	strace s3  }
0xf: {  	_ =	strace $0x8FFFFFFF  }
0x10: {  	s20 =	sld [smem:$0x3FDB];
	_ =	sdelay $0x1  }
0x11: {  	s4 =	simm.s32 $_scs_section_size  }
0x12: {  	s5 =	simm.s32 $_size__tile_overlayer_lowered;
	s6 =	simm.s32 $_tile_overlayer_lowered  }
0x13: {  	s23 =	simm.s32 $0x1BFF;
	s22 =	sshll.u32 s6, $0x1;
	s3 =	sadd.s32 s4, s20  }
0x14: {  	s7 =	simm.s32 $0x0;
	s21 =	sshll.u32 s5, $0x1;
	s5 =	sadd.s32 s22, s3  }
0x15: {  	[timem:s7], [sflag:s23] =	dma.local [hbm:s5], s21  }
0x16: {  	_ =	swait.ge [sflag:s23], s21  }
0x17: {  	s4 =	ssub.s32 $0x0, s21;
	[sflag:s23] =	ssyncset.done $0x0  }
0x18: {  	[sflag:s23] =	ssyncadd.s32 s4;
	_ =	sdelay $0x1  }
0x19: {  	s24 =	simm.s32 $0x1B8B  }
0x1a: {  	_ =	swait.ge [sflag:s24], $0x1  }
0x1b: {  	[sflag:s24] =	ssyncset.done $0x0  }
0x1c: {  	s26 =	simm.s32 $0x1B8E;
	s25 =	sld [smem:$0x3FFE];
	[sflag:s24] =	ssyncadd.s32 $0xFFFFFFFF  }
0x1d: {  	s27 =	simm.s32 $execute0_lowered;
	[smem:$0x3FD2] =	sst s26  }
0x1e: {  	s5 =	sshll.u32 s27, $0x1;
	_ =	strace $0x80000049;
	[dreg:$0x1] =	wrdreg $0xFFFFFFFF  }
0x1f: {  	s28 =	simm.s32 $_size_execute0_lowered;
	s3 =	sadd.s32 s3, s5;
	[dreg:$0x0] =	wrdreg $0x0  }
0x20: {  	s5 =	sshll.u32 s28, $0x1;
	[dreg:$0x2] =	wrdreg s3  }
0x21: {  	[dreg:$0x3] =	wrdreg s5  }
0x22: {  	[dreg:$0x4] =	wrdreg $0xC0  }
0x23: {  	_ =	task [dreg:s7], $0x5FFFF  }
0x24: {  	[dreg:$0x1] =	wrdreg $0xFFFFFFFF  }
0x25: {  	[dreg:$0x0] =	wrdreg $0x60  }
0x26: {  	[dreg:$0x2] =	wrdreg s25  }
0x27: {  	[dreg:$0x3] =	wrdreg s2  }
0x28: {  	[dreg:$0x4] =	wrdreg $0x9  }
0x29: {  	_ =	task.clear_ibuf [dreg:s7], $0x5FFFF;
	_ =	strace $0x90000049  }
0x2a: {  	s29 =	simm.s32 $0x9;
	_ =	strace $0x8000004B  }
0x2b: {  	_ =	swait.ge [sflag:s29], $0x1  }
0x2c: {  	[sflag:s29] =	ssyncadd.s32 $0xFFFFFFFF  }
0x2d: {  	_ =	strace $0x9000004B  }
0x2e: {  	_ =	sfence  }
0x2f: {  	s30 =	sld [smem:$0x0];
	_ =	sdelay $0x2  }
0x30: {  	s31 =	sshll.u32 s1, $0xD;
	s1 =	sshrl.u32 s1, $0x2  }
0x31: {  	s3 =	sand.u32 $0x4000, s31;
	s1 =	sadd.s32 s1, s30  }
0x32: {  	s0 =	sor.u32 s3, s0;
	s1 =	sshll.u32 s1, $0x11  }
0x33: {  	s0 =	sor.u32 s1, s0  }
0x34: {  	s0 =	sadd.s32 $0x8F2B, s0  }
0x35: {  	[sflag:s0] =	ssyncadd.remote.s32 $0x1  }
0x36: {  	_ =	sfence.sel $0xFFFF  }
0x37: {  	[dreg:$0x0] =	wrdreg $0xFFFFFFFF;
	(pc) =	sbr.abs _section_cstart, $3  }
0x38: {  	[dreg:$0x1] =	wrdreg $0xFFFFFFFF  }
0x39: {  	_ =	task.clear_ibuf [dreg:s7], $0x2FFFF;
	_ =	strace $0x9FFFFFFF  }
0x3a: {  	(tm) =	ssettm $0x7FFFFFFF  }
0x3b: {  	_ =	shalt  }
tec
execute0_lowered:
.L_overlay_start_1:
0x0: {  	(tag) =	ssettag $0x1  }
0x1: {  	s0 =	srdreg.scid  }
0x2: {  	s1 =	sshll.u32 s0, $0x4  }
0x3: {  	s0 =	stileid.u32;
	s1 =	sand.u32 $0x10, s1  }
0x4: {  	s1 =	sor.u32 s0, s1  }
0x5: {  	s6 =	rddreg [dreg:$0x0];
	s4 =	simm.s32 $0x1;
	s2 =	sshll.u32 s1, $0x7  }
0x6: {  	s7 =	simm.s32 $0x2;
	s12 =	simm.s32 $0x0;
	s1 =	ssub.s32 $0x1000, s2  }
0x7: {  	s8 =	simm.s32 $0x8000;
	s13 =	simm.s32 $0x0;
	s3 =	sand.u32 $0xF80, s1  }
0x8: {  	s9 =	simm.s32 $0x0;
	s5 =	sshrl.u32 s1, $0xC;
	p0 =	sne.s32 s3, $0x0  }
.Ltmp0:
0x9: {  	s1 =	rddreg [dreg:$0x2];
	s4 =	simm.s32 @!p0 $0x0;
	(pc) =	sbr.rel .LBB1_1-.Ltmp0, $4  }
0xa: {  	s11 =	simm.s32 $0x0;
	s3 =	rddreg [dreg:$0x1];
	s5 =	sadd.s32 s4, s5  }
0xb: {  	_ =	strace $0x8000004A;
	s4 =	simm.s32 $0x1;
	s5 =	smul.u32 $0xC8, s5  }
0xc: {  	s6 =	sadd.s32 $0xA00, s6;
	s10 =	smov.u32 s2;
	[sflag:s4] =	ssyncpa.u1 $0x0  }
0xd: {  	p0 =	por $0x0, $0x0;
	[sflag:s7] =	ssyncpa.u1 $0x0;
	s7 =	sor.u32 $0x1, s5  }
.LBB1_4:
0xe: {  	s16 =	sshll.u32 s13, $0x3;
	s17 =	sand.u32 $0x78, s13  }
0xf: {  	s30 =	sand.u32 $0x7E00, s13;
	s12 =	sshll.u32 s12, $0xF;
	s16 =	sand.u32 $0xC00, s16  }
0x10: {  	[tilespmem:s15+$0x810 ss:$0x81] =	vst.msk $0xffff, v2;
	s31 =	sand.u32 $0x7, s13;
	s16 =	sor.u32 s17, s16;
	s17 =	sadd.s32 s3, s30  }
0x11: {  	[tilespmem:s15+$0x1020 ss:$0x81] =	vst.msk $0xffff, v0;
	s13 =	sshll.u32 s31, $0x12;
	s12 =	sadd.s32 s12, s17;
	s16 =	sshrl.u32 s16, $0x3  }
0x12: {  	[tilespmem:s15+$0x0 ss:$0x81] =	vst.msk $0xffff, v1;
	s13 =	sor.u32 $0x400, s13;
	s12 =	sadd.s32 s16, s12  }
0x13: {  	[hbm4b:s12+s13] =	stream.strided.scatter [tilespmem:s14], [sflag:$0x2], $0x2000, s8, s13, $0x20;
	[tilespmem:$0x8080] =	vst v63  }
.LBB1_5:
0x14: {  	s14 =	sadd.s32 $0x1, s9  }
0x15: {  	s12 =	sadd.s32 $0x1000, s10;
	s16 =	smov.u32 s10;
	p2 =	sgt.s32 s14, $0xC7  }
0x16: {  	s16 =	smov.u32 @p2 s12  }
0x17: {  	s14 =	simm.s32 @p2 $0x0;
	p2 =	sgt.s32 s16, $0xFFF  }
0x18: {  	s16 =	smov.u32 @p2 s2;
	p2 =	sne.s32 s11, s7  }
.Ltmp1:
0x19: {  	p1 =	slt.u32 s11, $0x2;
	(pc) =	sbr.rel @!p2 .LBB1_6-.Ltmp1, $4  }
0x1a: {  	s15 =	simm.s32 @!p1 $0x2  }
0x1b: {  	s13 =	smov.u32 s10;
	p0 =	por !p0, !p0;
	_ =	swait.ge @!p1 [sflag:s15], $0x2000  }
0x1c: {  	s12 =	smov.u32 s9;
	[sflag:s15] =	ssyncset.done @!p1 $0x0;
	s9 =	smov.u32 s14  }
0x1d: {  	s11 =	sadd.s32 $0x1, s11;
	[sflag:s15] =	ssyncadd.s32 @!p1 $0xFFFFE000;
	s10 =	smov.u32 s16  }
.LBB1_1:
0x1e: {  	p1 =	sge.u32 s11, s5  }
0x1f: {  	s14 =	sand.u32 @!p1 $0x1FFFFFF, s9  }
0x20: {  	s15 =	smulhi.u32 @!p1 $0x147AE15, s14;
	_ =	sdelay $0x1  }
0x21: {  	s15 =	smul.u32 @!p1 $0xC8, s15  }
0x22: {  	s16 =	sxor.u32 @!p1 $0xFFFFFFFF, s11;
	s17 =	smul.u32 @!p1 $0xC80, s10  }
0x23: {  	s31 =	sadd.s32 $0xFFFFFFFF, s11;
	s16 =	sshll.u32 @!p1 s16, $0xD;
	s14 =	ssub.s32 @!p1 s14, s15  }
0x24: {  	s15 =	sand.u32 @!p1 $0x2000, s16;
	s16 =	sadd.s32 @!p1 s6, s17;
	s14 =	sshll.u32 @!p1 s14, $0x4  }
0x25: {  	s17 =	simm.s32 @!p1 $0x6400;
	s14 =	sadd.s32 @!p1 s14, s16;
	s16 =	simm.s32 @!p1 $0x40  }
0x26: {  	[tilespmem:s15], [sflag:$0x1] =	stream.strided.gather @!p1 [hbm4b:s14+s16], $0x2000, s17, s16, $0x38;
	[tilespmem:$0x8080] =	vst v63  }
0x27: {  	p1 =	sge.u32 s31, s5  }
.Ltmp2:
0x28: {  	_ = 	snop;
	(pc) =	sbr.rel @p1 .LBB1_5-.Ltmp2, $1  }
0x29: {  	_ =	sdelay $0x3  }
0x2a: {  	s14 =	simm.s32 $0x1  }
0x2b: {  	_ =	swait.ge [sflag:s4], $0x2000;
	s14 =	simm.s32 @!p0 $0x0  }
0x2c: {  	[sflag:s4] =	ssyncset.done $0x0;
	s15 =	sshll.u32 s14, $0xD  }
0x2d: {  	[sflag:s4] =	ssyncadd.s32 $0xFFFFE000;
	s18 =	sor.u32 $0x20, s15  }
0x2e: {  	s14 =	smul.u32 $0x8100, s14;
	v3 =	vld [tilespmem:s18+$0x10]  }
0x2f: {  	s30 =	sand.u32 $0x1, s11;
	v2 =	vld [tilespmem:s18+$0xFFFFFFF0]  }
0x30: {  	s15 =	smul.u32 $0x8100, s30;
	s14 =	sshrl.u32 s14, $0x2;
	v0 =	vld [tilespmem:s18+$0x0]  }
0x31: {  	v1 =	vld [tilespmem:s18+$0xFFFFFFE0];
	s16 =	sor.u32 $0x4000, s14  }
0x32: {  	s31 =	sshrl.u32 s15, $0x2;
	s15 =	sadd.s32 $0x0, s16  }
0x33: {  	s17 =	simm.s32 $0x4;
	s18 =	sadd.s32 $0x40, s18;
	s14 =	sor.u32 $0x4000, s31;
	[tilespmem:s15+$0x1830 ss:$0x81] =	vst.msk $0xffff, v3  }
.LBB1_3:
0x34: {  	v3 =	vld [tilespmem:s18+$0x10];
	p1 =	sne.s32 s17, $0x1FC;
	[tilespmem:s15+$0x810 ss:$0x81] =	vst.msk $0xffff, v2;
	s19 =	smov.u32 s17;
	s17 =	sadd.s32 $0x4, s17  }
.Ltmp3:
0x35: {  	v2 =	vld [tilespmem:s18+$0xFFFFFFF0];
	[tilespmem:s15+$0x1020 ss:$0x81] =	vst.msk $0xffff, v0;
	(pc) =	sbr.rel @p1 .LBB1_3-.Ltmp3, $4  }
0x36: {  	v0 =	vld [tilespmem:s18+$0x0];
	[tilespmem:s15+$0x0 ss:$0x81] =	vst.msk $0xffff, v1  }
0x37: {  	s15 =	sshra.s32 s19, $0x2;
	v1 =	vld [tilespmem:s18+$0xFFFFFFE0]  }
0x38: {  	s15 =	sadd.s32 s15, s16  }
0x39: {  	s18 =	sadd.s32 $0x40, s18;
	[tilespmem:s15+$0x1830 ss:$0x81] =	vst.msk $0xffff, v3  }
.Ltmp4:
0x3a: {  	_ = 	snop;
	(pc) =	sbr.rel .LBB1_4-.Ltmp4, $1  }
0x3b: {  	_ =	sdelay $0x3  }
.LBB1_6:
0x3c: {  	_ =	sfence.sel $0x180000  }
0x3d: {  	s2 =	simm.s32 $0x1;
	[bflag:$0x0] =	sbarrier.arrive $0xFFFF  }
0x3e: {  	s31 =	simm.s32 $0x2;
	[sflag:s2] =	ssyncpa.u1 $0x1  }
0x3f: {  	[sflag:s31] =	ssyncpa.u1 $0x1  }
0x40: {  	p0 =	sne.s32 s0, $0x0;
	_ =	strace $0x9000004A  }
0x41: {  	s0 =	sadd.s32 @!p0 $0x100000, s1;
	[bflag:$0x2] =	sbarrier.arrive $0xFFFF  }
0x42: {  	[sflag:s0] =	ssyncadd.tile.s32 @!p0 $0x1;
	_ =	shalt  }
.Lfunc_end1:
_tile_overlayer_lowered:
.L_overlay_start_2:
0x43: {  	(tag) =	ssettag $0x2  }
0x44: {  	s0 =	rddreg [dreg:$0x0];
	s2 =	stileid.u32  }
0x45: {  	s1 =	rddreg [dreg:$0x1];
	p0 =	sne.s32 s2, $0x0  }
0x46: {  	s3 =	rddreg [dreg:$0x2];
	[bflag:$0x3] =	sbarrier.arrive $0xFFFF;
	s2 =	simm.s32 @!p0 $0x1C01  }
0x47: {  	[timem:s3], [sflag:s2] =	dma.local @!p0 [hbm:s0], s1  }
0x48: {  	s0 =	simm.s32 @!p0 $0x1  }
0x49: {  	_ =	swait.ge @!p0 [sflag:s0], s1  }
0x4a: {  	s1 =	ssub.s32 @!p0 $0x0, s1;
	[sflag:s0] =	ssyncset.done @!p0 $0x0  }
0x4b: {  	[sflag:s0] =	ssyncadd.s32 @!p0 s1  }
0x4c: {  	[bflag:$0x3] =	sbarrier.arrive $0xFFFF  }
0x4d: {  	_ =	shalt  }

</sc_bundles>
